<compile_context>
chip_gen: v7x
topology: tpu7x:2x2x1
jax: 0.10.2.dev20260603
libtpu: 0.0.44.dev20260713+nightly
codegen_flags: <defaults>
</compile_context>

<pallas_src>
import functools

import jax
import jax.numpy as jnp
from jax import lax
from jax.experimental import pallas as pl
from jax.experimental.pallas import tpu as pltpu
from jax.experimental.pallas import tpu_sc as plsc

_INF = 1 << 20


def _shift_right(x, s, fill):
    pad = jnp.full((x.shape[0], s), fill, x.dtype)
    return jnp.concatenate([pad, x[:, : x.shape[1] - s]], axis=1)


def _levels_tc_kernel(num_levels, tok_ref, emb_ref, lev_ref, semb_ref):
    tok = tok_ref[...]
    is_open = (tok == 40) | (tok == 91) | (tok == 123)
    is_close = (tok == 41) | (tok == 93) | (tok == 125)

    f = jnp.float32
    a = jnp.where(is_open, f(1), f(0)) - jnp.where(is_close, f(1), f(0))
    lo = jnp.where(is_close, f(0), f(-_INF))
    hi = jnp.where(is_open, f(num_levels - 1), f(_INF))

    s = 1
    seq = tok.shape[1]
    while s < seq:
        pa = _shift_right(a, s, 0.0)
        plo = _shift_right(lo, s, float(-_INF))
        phi = _shift_right(hi, s, float(_INF))
        na = pa + a
        nlo = jnp.clip(plo + a, lo, hi)
        nhi = jnp.clip(phi + a, lo, hi)
        a, lo, hi = na, nlo, nhi
        s *= 2

    lev_ref[...] = jnp.clip(a, lo, hi).astype(jnp.int32)

    scaled = emb_ref[...] * 0.15
    for w in range(semb_ref.shape[0]):
        semb_ref[w] = scaled


@functools.lru_cache(maxsize=None)
def _make_sc_lookup(n_rows, num_levels, d, unroll):
    info = plsc.get_sparse_core_info()
    nw = info.num_cores * info.num_subcores
    lanes = info.num_lanes
    rows_per_w = n_rows // nw
    assert rows_per_w % unroll == 0 and d % lanes == 0
    mesh = plsc.VectorSubcoreMesh(core_axis_name="c", subcore_axis_name="s")

    @functools.partial(
        pl.kernel,
        mesh=mesh,
        out_type=jax.ShapeDtypeStruct((n_rows, d), jnp.float32),
        scratch_types=[
            pltpu.VMEM((num_levels, d), jnp.float32),
            pltpu.VMEM((rows_per_w + lanes,), jnp.int32),
            pltpu.SemaphoreType.DMA,
            pltpu.SemaphoreType.DMA,
        ],
    )
    def lookup(idx_hbm, table_hbm, out_hbm, table_v, idx_v, lsem, ssem):
        wid = lax.axis_index("s") * info.num_cores + lax.axis_index("c")
        base = wid * rows_per_w

        idx_dst = idx_v.at[pl.ds(0, rows_per_w)]
        tab_src = table_hbm.at[pl.ds(wid * num_levels, num_levels)]
        pltpu.async_copy(idx_hbm.at[pl.ds(base, rows_per_w)], idx_dst, lsem)
        pltpu.async_copy(tab_src, table_v, lsem)
        pltpu.make_async_copy(idx_hbm.at[pl.ds(base, rows_per_w)], idx_dst, lsem).wait()
        pltpu.make_async_copy(tab_src, table_v, lsem).wait()

        def issue(r0, carry):
            for u in range(unroll):
                r = r0 * unroll + u
                lvl = idx_v[pl.ds(r, lanes)][0]
                pltpu.async_copy(
                    table_v.at[pl.ds(lvl, 1)],
                    out_hbm.at[pl.ds(base + r, 1)],
                    ssem,
                )
            return carry

        lax.fori_loop(0, rows_per_w // unroll, issue, 0)

        def drain(r, carry):
            pltpu.make_async_copy(
                table_v.at[pl.ds(0, 1)], out_hbm.at[pl.ds(base, 1)], ssem
            ).wait()
            return carry

        lax.fori_loop(0, rows_per_w, drain, 0)

    return lookup


def kernel(token_ids, classifications, level_emb):
    del classifications
    b, s = token_ids.shape
    num_levels, d = level_emb.shape

    info = plsc.get_sparse_core_info()
    nw = info.num_cores * info.num_subcores

    levels, scaled_emb = pl.pallas_call(
        functools.partial(_levels_tc_kernel, num_levels),
        out_shape=[
            jax.ShapeDtypeStruct((b, s), jnp.int32),
            jax.ShapeDtypeStruct((nw, num_levels, d), level_emb.dtype),
        ],
    )(token_ids, level_emb)

    idx = levels.reshape(b * s)
    out = _make_sc_lookup(b * s, num_levels, d, 8)(
        idx, scaled_emb.reshape(nw * num_levels, d)
    )
    return out.reshape(b, s, d)

# --- scband reference (transcript-rebuilt; emitter-appended) ---
"""Pipeline reference for scband-expression-hierarchy-encoder-22359599743551 (READ-ONLY COPY).

The authoritative reference and input builder live on the scoring server;
editing this copy changes nothing except your own understanding.
"""

import jax, jax.numpy as jnp
import numpy as np

D_MODEL = 1024
NUM_LEVELS = 32
BATCH = 4
SEQ = 8192


def setup_inputs(seed: int = 0) -> dict:
    key = jax.random.key(seed)
    k1, k2 = jax.random.split(key, 2)
    token_ids = jax.random.randint(k1, (BATCH, SEQ), 0, 256, dtype=jnp.int32)
    classifications = jnp.zeros((1,), dtype=jnp.float32)
    level_emb = jax.random.normal(k2, (NUM_LEVELS, D_MODEL), dtype=jnp.float32)
    return {"token_ids": token_ids, "classifications": classifications, "level_emb": level_emb}


def _compute_levels(token_ids, num_levels):
    # open brackets: ( [ {  -> 40, 91, 123 ; close: ) ] } -> 41, 93, 125
    is_open = (token_ids == 40) | (token_ids == 91) | (token_ids == 123)
    is_close = (token_ids == 41) | (token_ids == 93) | (token_ids == 125)

    def step(level, xs):
        o, c = xs
        level = jnp.where(o, jnp.minimum(level + 1, num_levels - 1), level)
        level = jnp.where(c, jnp.maximum(level - 1, 0), level)
        return level, level

    init = jnp.zeros((token_ids.shape[0],), dtype=jnp.int32)
    _, levels_t = jax.lax.scan(step, init, (is_open.T, is_close.T))
    return levels_t.T  # [B, S]


def reference(token_ids, classifications, level_emb):
    num_levels = level_emb.shape[0]
    levels = _compute_levels(token_ids, num_levels)
    hierarchy_pos = jnp.take(level_emb, levels, axis=0)  # [B, S, d_model]
    return hierarchy_pos * 0.15

if __name__ == "__main__":
    import jax
    _d = setup_inputs()
    print(jax.jit(kernel)(*tuple(_d.values())))

</pallas_src>

<mosaic_0001>
#map = affine_map<(d0, d1) -> (0)>
#map1 = affine_map<(d0, d1) -> (0, 0)>
module attributes {stable_mosaic.version = 14 : i64} {
  func.func @lookup(%arg0: i32, %arg1: i32, %arg2: memref<32768xi32, #tpu.memory_space<hbm>>, %arg3: memref<1024x1024xf32, #tpu.memory_space<hbm>>, %arg4: memref<32768x1024xf32, #tpu.memory_space<hbm>>, %arg5: memref<32x1024xf32, #tpu.memory_space<vmem>>, %arg6: memref<1040xi32, #tpu.memory_space<vmem>>, %arg7: memref<!tpu.dma_semaphore, #tpu.memory_space<semaphore_mem>>, %arg8: memref<!tpu.dma_semaphore, #tpu.memory_space<semaphore_mem>>) attributes {dimension_semantics = [#tpu.dimension_semantics<core_parallel>, #tpu.dimension_semantics<subcore_parallel>], iteration_bounds = array<i64: 2, 16>, scalar_prefetch = 0 : i64, scratch_operands = 4 : i64, tpu.core_type = #tpu.core_type<sc_vector_subcore>, window_params = [{transform_indices = #map}, {transform_indices = #map1}, {transform_indices = #map1}]} {
    %mul3A = arith.constant 2 : i32
    %mul3A_0 = arith.muli %arg1, %mul3A : i32
    %add3A = arith.addi %mul3A_0, %arg0 : i32
    %mul3A_1 = arith.constant 1024 : i32
    %mul3A_2 = arith.muli %add3A, %mul3A_1 : i32
    %mul3A_3 = arith.constant 32 : i32
    %mul3A_4 = arith.muli %add3A, %mul3A_3 : i32
    %dma_start3A = arith.constant 0 : i32
    %dma_start3A_5 = tpu.memref_slice %arg6[%dma_start3A] : memref<1040xi32, #tpu.memory_space<vmem>> -> memref<1024xi32, #tpu.memory_space<vmem>>
    %dma_start3A_6 = tpu.memref_slice %arg2[%mul3A_2] : memref<32768xi32, #tpu.memory_space<hbm>> -> memref<1024xi32, #tpu.memory_space<hbm>>
    %dma_start3A_7 = arith.constant 0 : i32
    %dma_start3A_8 = tpu.memref_slice %arg6[%dma_start3A_7] : memref<1040xi32, #tpu.memory_space<vmem>> -> memref<1024xi32, #tpu.memory_space<vmem>>
    %dma_start3A_9 = tpu.memref_slice %arg2[%mul3A_2] : memref<32768xi32, #tpu.memory_space<hbm>> -> memref<1024xi32, #tpu.memory_space<hbm>>
    tpu.enqueue_dma source(%dma_start3A_9 : memref<1024xi32, #tpu.memory_space<hbm>>) target(%dma_start3A_8 : memref<1024xi32, #tpu.memory_space<vmem>>) target_semaphore(%arg7 : memref<!tpu.dma_semaphore, #tpu.memory_space<semaphore_mem>>)
    %dma_start3A_10 = arith.constant 0 : i32
    %dma_start3A_11 = tpu.memref_slice %arg3[%mul3A_4, %dma_start3A_10] : memref<1024x1024xf32, #tpu.memory_space<hbm>> -> memref<32x1024xf32, #tpu.memory_space<hbm>>
    %dma_start3A_12 = arith.constant 0 : i32
    %dma_start3A_13 = tpu.memref_slice %arg3[%mul3A_4, %dma_start3A_12] : memref<1024x1024xf32, #tpu.memory_space<hbm>> -> memref<32x1024xf32, #tpu.memory_space<hbm>>
    tpu.enqueue_dma source(%dma_start3A_13 : memref<32x1024xf32, #tpu.memory_space<hbm>>) target(%arg5 : memref<32x1024xf32, #tpu.memory_space<vmem>>) target_semaphore(%arg7 : memref<!tpu.dma_semaphore, #tpu.memory_space<semaphore_mem>>)
    %dma_wait3A = arith.constant 0 : i32
    %dma_wait3A_14 = tpu.memref_slice %arg6[%dma_wait3A] : memref<1040xi32, #tpu.memory_space<vmem>> -> memref<1024xi32, #tpu.memory_space<vmem>>
    %dma_wait3A_15 = tpu.memref_slice %arg2[%mul3A_2] : memref<32768xi32, #tpu.memory_space<hbm>> -> memref<1024xi32, #tpu.memory_space<hbm>>
    %dma_wait3A_16 = arith.constant 0 : i32
    %dma_wait3A_17 = tpu.memref_slice %arg6[%dma_wait3A_16] : memref<1040xi32, #tpu.memory_space<vmem>> -> memref<1024xi32, #tpu.memory_space<vmem>>
    %dma_wait3A_18 = tpu.memref_slice %arg2[%mul3A_2] : memref<32768xi32, #tpu.memory_space<hbm>> -> memref<1024xi32, #tpu.memory_space<hbm>>
    tpu.wait_dma2 semaphore(%arg7 : memref<!tpu.dma_semaphore, #tpu.memory_space<semaphore_mem>>) src(%dma_wait3A_18 : memref<1024xi32, #tpu.memory_space<hbm>>) dst(%dma_wait3A_17 : memref<1024xi32, #tpu.memory_space<vmem>>)
    %dma_wait3A_19 = arith.constant 0 : i32
    %dma_wait3A_20 = tpu.memref_slice %arg3[%mul3A_4, %dma_wait3A_19] : memref<1024x1024xf32, #tpu.memory_space<hbm>> -> memref<32x1024xf32, #tpu.memory_space<hbm>>
    %dma_wait3A_21 = arith.constant 0 : i32
    %dma_wait3A_22 = tpu.memref_slice %arg3[%mul3A_4, %dma_wait3A_21] : memref<1024x1024xf32, #tpu.memory_space<hbm>> -> memref<32x1024xf32, #tpu.memory_space<hbm>>
    tpu.wait_dma2 semaphore(%arg7 : memref<!tpu.dma_semaphore, #tpu.memory_space<semaphore_mem>>) src(%dma_wait3A_22 : memref<32x1024xf32, #tpu.memory_space<hbm>>) dst(%arg5 : memref<32x1024xf32, #tpu.memory_space<vmem>>)
    %scan3A = arith.constant 0 : i32
    %scan3A_23 = arith.constant 0 : i32
    %scan3A_24 = arith.constant 128 : i32
    %scan3A_25 = arith.addi %scan3A_23, %scan3A_24 : i32
    %scan3A_26 = arith.constant 1 : i32
    scf.for %scan3A_34 = %scan3A_23 to %scan3A_25 step %scan3A_26  : i32 {
      %mul3A_35 = arith.constant 8 : i32
      %mul3A_36 = arith.muli %scan3A_34, %mul3A_35 : i32
      %add3A_37 = arith.constant 0 : i32
      %add3A_38 = arith.addi %mul3A_36, %add3A_37 : i32
      %get3A = arith.index_cast %add3A_38 : i32 to index
      %get3A_39 = tpu.vector_load %arg6[%get3A] {strides = array<i32>} : memref<1040xi32, #tpu.memory_space<vmem>>, vector<16xi32>,
      %get3A_40 = vector.shape_cast %get3A_39 : vector<16xi32> to vector<16xi32>
      %slice3A = vector.extract_strided_slice %get3A_40 {offsets = [0], sizes = [1], strides = [1]} : vector<16xi32> to vector<1xi32>
      %squeeze3A = vector.extract %slice3A[0] : i32 from vector<1xi32>
      %add3A_41 = arith.addi %mul3A_2, %add3A_38 : i32
      %dma_start3A_42 = arith.constant 0 : i32
      %dma_start3A_43 = tpu.memref_slice %arg5[%squeeze3A, %dma_start3A_42] : memref<32x1024xf32, #tpu.memory_space<vmem>> -> memref<1x1024xf32, #tpu.memory_space<vmem>>
      %dma_start3A_44 = arith.constant 0 : i32
      %dma_start3A_45 = tpu.memref_slice %arg4[%add3A_41, %dma_start3A_44] : memref<32768x1024xf32, #tpu.memory_space<hbm>> -> memref<1x1024xf32, #tpu.memory_space<hbm>>
      %dma_start3A_46 = arith.constant 0 : i32
      %dma_start3A_47 = tpu.memref_slice %arg4[%add3A_41, %dma_start3A_46] : memref<32768x1024xf32, #tpu.memory_space<hbm>> -> memref<1x1024xf32, #tpu.memory_space<hbm>>
      %dma_start3A_48 = arith.constant 0 : i32
      %dma_start3A_49 = tpu.memref_slice %arg5[%squeeze3A, %dma_start3A_48] : memref<32x1024xf32, #tpu.memory_space<vmem>> -> memref<1x1024xf32, #tpu.memory_space<vmem>>
      tpu.enqueue_dma source(%dma_start3A_49 : memref<1x1024xf32, #tpu.memory_space<vmem>>) target(%dma_start3A_47 : memref<1x1024xf32, #tpu.memory_space<hbm>>) target_semaphore(%arg8 : memref<!tpu.dma_semaphore, #tpu.memory_space<semaphore_mem>>)
      %mul3A_50 = arith.constant 8 : i32
      %mul3A_51 = arith.muli %scan3A_34, %mul3A_50 : i32
      %add3A_52 = arith.constant 1 : i32
      %add3A_53 = arith.addi %mul3A_51, %add3A_52 : i32
      %get3A_54 = arith.index_cast %add3A_53 : i32 to index
      %get3A_55 = tpu.vector_load %arg6[%get3A_54] {strides = array<i32>} : memref<1040xi32, #tpu.memory_space<vmem>>, vector<16xi32>,
      %get3A_56 = vector.shape_cast %get3A_55 : vector<16xi32> to vector<16xi32>
      %slice3A_57 = vector.extract_strided_slice %get3A_56 {offsets = [0], sizes = [1], strides = [1]} : vector<16xi32> to vector<1xi32>
      %squeeze3A_58 = vector.extract %slice3A_57[0] : i32 from vector<1xi32>
      %add3A_59 = arith.addi %mul3A_2, %add3A_53 : i32
      %dma_start3A_60 = arith.constant 0 : i32
      %dma_start3A_61 = tpu.memref_slice %arg5[%squeeze3A_58, %dma_start3A_60] : memref<32x1024xf32, #tpu.memory_space<vmem>> -> memref<1x1024xf32, #tpu.memory_space<vmem>>
      %dma_start3A_62 = arith.constant 0 : i32
      %dma_start3A_63 = tpu.memref_slice %arg4[%add3A_59, %dma_start3A_62] : memref<32768x1024xf32, #tpu.memory_space<hbm>> -> memref<1x1024xf32, #tpu.memory_space<hbm>>
      %dma_start3A_64 = arith.constant 0 : i32
      %dma_start3A_65 = tpu.memref_slice %arg4[%add3A_59, %dma_start3A_64] : memref<32768x1024xf32, #tpu.memory_space<hbm>> -> memref<1x1024xf32, #tpu.memory_space<hbm>>
      %dma_start3A_66 = arith.constant 0 : i32
      %dma_start3A_67 = tpu.memref_slice %arg5[%squeeze3A_58, %dma_start3A_66] : memref<32x1024xf32, #tpu.memory_space<vmem>> -> memref<1x1024xf32, #tpu.memory_space<vmem>>
      tpu.enqueue_dma source(%dma_start3A_67 : memref<1x1024xf32, #tpu.memory_space<vmem>>) target(%dma_start3A_65 : memref<1x1024xf32, #tpu.memory_space<hbm>>) target_semaphore(%arg8 : memref<!tpu.dma_semaphore, #tpu.memory_space<semaphore_mem>>)
      %mul3A_68 = arith.constant 8 : i32
      %mul3A_69 = arith.muli %scan3A_34, %mul3A_68 : i32
      %add3A_70 = arith.constant 2 : i32
      %add3A_71 = arith.addi %mul3A_69, %add3A_70 : i32
      %get3A_72 = arith.index_cast %add3A_71 : i32 to index
      %get3A_73 = tpu.vector_load %arg6[%get3A_72] {strides = array<i32>} : memref<1040xi32, #tpu.memory_space<vmem>>, vector<16xi32>,
      %get3A_74 = vector.shape_cast %get3A_73 : vector<16xi32> to vector<16xi32>
      %slice3A_75 = vector.extract_strided_slice %get3A_74 {offsets = [0], sizes = [1], strides = [1]} : vector<16xi32> to vector<1xi32>
      %squeeze3A_76 = vector.extract %slice3A_75[0] : i32 from vector<1xi32>
      %add3A_77 = arith.addi %mul3A_2, %add3A_71 : i32
      %dma_start3A_78 = arith.constant 0 : i32
      %dma_start3A_79 = tpu.memref_slice %arg5[%squeeze3A_76, %dma_start3A_78] : memref<32x1024xf32, #tpu.memory_space<vmem>> -> memref<1x1024xf32, #tpu.memory_space<vmem>>
      %dma_start3A_80 = arith.constant 0 : i32
      %dma_start3A_81 = tpu.memref_slice %arg4[%add3A_77, %dma_start3A_80] : memref<32768x1024xf32, #tpu.memory_space<hbm>> -> memref<1x1024xf32, #tpu.memory_space<hbm>>
      %dma_start3A_82 = arith.constant 0 : i32
      %dma_start3A_83 = tpu.memref_slice %arg4[%add3A_77, %dma_start3A_82] : memref<32768x1024xf32, #tpu.memory_space<hbm>> -> memref<1x1024xf32, #tpu.memory_space<hbm>>
      %dma_start3A_84 = arith.constant 0 : i32
      %dma_start3A_85 = tpu.memref_slice %arg5[%squeeze3A_76, %dma_start3A_84] : memref<32x1024xf32, #tpu.memory_space<vmem>> -> memref<1x1024xf32, #tpu.memory_space<vmem>>
      tpu.enqueue_dma source(%dma_start3A_85 : memref<1x1024xf32, #tpu.memory_space<vmem>>) target(%dma_start3A_83 : memref<1x1024xf32, #tpu.memory_space<hbm>>) target_semaphore(%arg8 : memref<!tpu.dma_semaphore, #tpu.memory_space<semaphore_mem>>)
      %mul3A_86 = arith.constant 8 : i32
      %mul3A_87 = arith.muli %scan3A_34, %mul3A_86 : i32
      %add3A_88 = arith.constant 3 : i32
      %add3A_89 = arith.addi %mul3A_87, %add3A_88 : i32
      %get3A_90 = arith.index_cast %add3A_89 : i32 to index
      %get3A_91 = tpu.vector_load %arg6[%get3A_90] {strides = array<i32>} : memref<1040xi32, #tpu.memory_space<vmem>>, vector<16xi32>,
      %get3A_92 = vector.shape_cast %get3A_91 : vector<16xi32> to vector<16xi32>
      %slice3A_93 = vector.extract_strided_slice %get3A_92 {offsets = [0], sizes = [1], strides = [1]} : vector<16xi32> to vector<1xi32>
      %squeeze3A_94 = vector.extract %slice3A_93[0] : i32 from vector<1xi32>
      %add3A_95 = arith.addi %mul3A_2, %add3A_89 : i32
      %dma_start3A_96 = arith.constant 0 : i32
      %dma_start3A_97 = tpu.memref_slice %arg5[%squeeze3A_94, %dma_start3A_96] : memref<32x1024xf32, #tpu.memory_space<vmem>> -> memref<1x1024xf32, #tpu.memory_space<vmem>>
      %dma_start3A_98 = arith.constant 0 : i32
      %dma_start3A_99 = tpu.memref_slice %arg4[%add3A_95, %dma_start3A_98] : memref<32768x1024xf32, #tpu.memory_space<hbm>> -> memref<1x1024xf32, #tpu.memory_space<hbm>>
      %dma_start3A_100 = arith.constant 0 : i32
      %dma_start3A_101 = tpu.memref_slice %arg4[%add3A_95, %dma_start3A_100] : memref<32768x1024xf32, #tpu.memory_space<hbm>> -> memref<1x1024xf32, #tpu.memory_space<hbm>>
      %dma_start3A_102 = arith.constant 0 : i32
      %dma_start3A_103 = tpu.memref_slice %arg5[%squeeze3A_94, %dma_start3A_102] : memref<32x1024xf32, #tpu.memory_space<vmem>> -> memref<1x1024xf32, #tpu.memory_space<vmem>>
      tpu.enqueue_dma source(%dma_start3A_103 : memref<1x1024xf32, #tpu.memory_space<vmem>>) target(%dma_start3A_101 : memref<1x1024xf32, #tpu.memory_space<hbm>>) target_semaphore(%arg8 : memref<!tpu.dma_semaphore, #tpu.memory_space<semaphore_mem>>)
      %mul3A_104 = arith.constant 8 : i32
      %mul3A_105 = arith.muli %scan3A_34, %mul3A_104 : i32
      %add3A_106 = arith.constant 4 : i32
      %add3A_107 = arith.addi %mul3A_105, %add3A_106 : i32
      %get3A_108 = arith.index_cast %add3A_107 : i32 to index
      %get3A_109 = tpu.vector_load %arg6[%get3A_108] {strides = array<i32>} : memref<1040xi32, #tpu.memory_space<vmem>>, vector<16xi32>,
      %get3A_110 = vector.shape_cast %get3A_109 : vector<16xi32> to vector<16xi32>
      %slice3A_111 = vector.extract_strided_slice %get3A_110 {offsets = [0], sizes = [1], strides = [1]} : vector<16xi32> to vector<1xi32>
      %squeeze3A_112 = vector.extract %slice3A_111[0] : i32 from vector<1xi32>
      %add3A_113 = arith.addi %mul3A_2, %add3A_107 : i32
      %dma_start3A_114 = arith.constant 0 : i32
      %dma_start3A_115 = tpu.memref_slice %arg5[%squeeze3A_112, %dma_start3A_114] : memref<32x1024xf32, #tpu.memory_space<vmem>> -> memref<1x1024xf32, #tpu.memory_space<vmem>>
      %dma_start3A_116 = arith.constant 0 : i32
      %dma_start3A_117 = tpu.memref_slice %arg4[%add3A_113, %dma_start3A_116] : memref<32768x1024xf32, #tpu.memory_space<hbm>> -> memref<1x1024xf32, #tpu.memory_space<hbm>>
      %dma_start3A_118 = arith.constant 0 : i32
      %dma_start3A_119 = tpu.memref_slice %arg4[%add3A_113, %dma_start3A_118] : memref<32768x1024xf32, #tpu.memory_space<hbm>> -> memref<1x1024xf32, #tpu.memory_space<hbm>>
      %dma_start3A_120 = arith.constant 0 : i32
      %dma_start3A_121 = tpu.memref_slice %arg5[%squeeze3A_112, %dma_start3A_120] : memref<32x1024xf32, #tpu.memory_space<vmem>> -> memref<1x1024xf32, #tpu.memory_space<vmem>>
      tpu.enqueue_dma source(%dma_start3A_121 : memref<1x1024xf32, #tpu.memory_space<vmem>>) target(%dma_start3A_119 : memref<1x1024xf32, #tpu.memory_space<hbm>>) target_semaphore(%arg8 : memref<!tpu.dma_semaphore, #tpu.memory_space<semaphore_mem>>)
      %mul3A_122 = arith.constant 8 : i32
      %mul3A_123 = arith.muli %scan3A_34, %mul3A_122 : i32
      %add3A_124 = arith.constant 5 : i32
      %add3A_125 = arith.addi %mul3A_123, %add3A_124 : i32
      %get3A_126 = arith.index_cast %add3A_125 : i32 to index
      %get3A_127 = tpu.vector_load %arg6[%get3A_126] {strides = array<i32>} : memref<1040xi32, #tpu.memory_space<vmem>>, vector<16xi32>,
      %get3A_128 = vector.shape_cast %get3A_127 : vector<16xi32> to vector<16xi32>
      %slice3A_129 = vector.extract_strided_slice %get3A_128 {offsets = [0], sizes = [1], strides = [1]} : vector<16xi32> to vector<1xi32>
      %squeeze3A_130 = vector.extract %slice3A_129[0] : i32 from vector<1xi32>
      %add3A_131 = arith.addi %mul3A_2, %add3A_125 : i32
      %dma_start3A_132 = arith.constant 0 : i32
      %dma_start3A_133 = tpu.memref_slice %arg5[%squeeze3A_130, %dma_start3A_132] : memref<32x1024xf32, #tpu.memory_space<vmem>> -> memref<1x1024xf32, #tpu.memory_space<vmem>>
      %dma_start3A_134 = arith.constant 0 : i32
      %dma_start3A_135 = tpu.memref_slice %arg4[%add3A_131, %dma_start3A_134] : memref<32768x1024xf32, #tpu.memory_space<hbm>> -> memref<1x1024xf32, #tpu.memory_space<hbm>>
      %dma_start3A_136 = arith.constant 0 : i32
      %dma_start3A_137 = tpu.memref_slice %arg4[%add3A_131, %dma_start3A_136] : memref<32768x1024xf32, #tpu.memory_space<hbm>> -> memref<1x1024xf32, #tpu.memory_space<hbm>>
      %dma_start3A_138 = arith.constant 0 : i32
      %dma_start3A_139 = tpu.memref_slice %arg5[%squeeze3A_130, %dma_start3A_138] : memref<32x1024xf32, #tpu.memory_space<vmem>> -> memref<1x1024xf32, #tpu.memory_space<vmem>>
      tpu.enqueue_dma source(%dma_start3A_139 : memref<1x1024xf32, #tpu.memory_space<vmem>>) target(%dma_start3A_137 : memref<1x1024xf32, #tpu.memory_space<hbm>>) target_semaphore(%arg8 : memref<!tpu.dma_semaphore, #tpu.memory_space<semaphore_mem>>)
      %mul3A_140 = arith.constant 8 : i32
      %mul3A_141 = arith.muli %scan3A_34, %mul3A_140 : i32
      %add3A_142 = arith.constant 6 : i32
      %add3A_143 = arith.addi %mul3A_141, %add3A_142 : i32
      %get3A_144 = arith.index_cast %add3A_143 : i32 to index
      %get3A_145 = tpu.vector_load %arg6[%get3A_144] {strides = array<i32>} : memref<1040xi32, #tpu.memory_space<vmem>>, vector<16xi32>,
      %get3A_146 = vector.shape_cast %get3A_145 : vector<16xi32> to vector<16xi32>
      %slice3A_147 = vector.extract_strided_slice %get3A_146 {offsets = [0], sizes = [1], strides = [1]} : vector<16xi32> to vector<1xi32>
      %squeeze3A_148 = vector.extract %slice3A_147[0] : i32 from vector<1xi32>
      %add3A_149 = arith.addi %mul3A_2, %add3A_143 : i32
      %dma_start3A_150 = arith.constant 0 : i32
      %dma_start3A_151 = tpu.memref_slice %arg5[%squeeze3A_148, %dma_start3A_150] : memref<32x1024xf32, #tpu.memory_space<vmem>> -> memref<1x1024xf32, #tpu.memory_space<vmem>>
      %dma_start3A_152 = arith.constant 0 : i32
      %dma_start3A_153 = tpu.memref_slice %arg4[%add3A_149, %dma_start3A_152] : memref<32768x1024xf32, #tpu.memory_space<hbm>> -> memref<1x1024xf32, #tpu.memory_space<hbm>>
      %dma_start3A_154 = arith.constant 0 : i32
      %dma_start3A_155 = tpu.memref_slice %arg4[%add3A_149, %dma_start3A_154] : memref<32768x1024xf32, #tpu.memory_space<hbm>> -> memref<1x1024xf32, #tpu.memory_space<hbm>>
      %dma_start3A_156 = arith.constant 0 : i32
      %dma_start3A_157 = tpu.memref_slice %arg5[%squeeze3A_148, %dma_start3A_156] : memref<32x1024xf32, #tpu.memory_space<vmem>> -> memref<1x1024xf32, #tpu.memory_space<vmem>>
      tpu.enqueue_dma source(%dma_start3A_157 : memref<1x1024xf32, #tpu.memory_space<vmem>>) target(%dma_start3A_155 : memref<1x1024xf32, #tpu.memory_space<hbm>>) target_semaphore(%arg8 : memref<!tpu.dma_semaphore, #tpu.memory_space<semaphore_mem>>)
      %mul3A_158 = arith.constant 8 : i32
      %mul3A_159 = arith.muli %scan3A_34, %mul3A_158 : i32
      %add3A_160 = arith.constant 7 : i32
      %add3A_161 = arith.addi %mul3A_159, %add3A_160 : i32
      %get3A_162 = arith.index_cast %add3A_161 : i32 to index
      %get3A_163 = tpu.vector_load %arg6[%get3A_162] {strides = array<i32>} : memref<1040xi32, #tpu.memory_space<vmem>>, vector<16xi32>,
      %get3A_164 = vector.shape_cast %get3A_163 : vector<16xi32> to vector<16xi32>
      %slice3A_165 = vector.extract_strided_slice %get3A_164 {offsets = [0], sizes = [1], strides = [1]} : vector<16xi32> to vector<1xi32>
      %squeeze3A_166 = vector.extract %slice3A_165[0] : i32 from vector<1xi32>
      %add3A_167 = arith.addi %mul3A_2, %add3A_161 : i32
      %dma_start3A_168 = arith.constant 0 : i32
      %dma_start3A_169 = tpu.memref_slice %arg5[%squeeze3A_166, %dma_start3A_168] : memref<32x1024xf32, #tpu.memory_space<vmem>> -> memref<1x1024xf32, #tpu.memory_space<vmem>>
      %dma_start3A_170 = arith.constant 0 : i32
      %dma_start3A_171 = tpu.memref_slice %arg4[%add3A_167, %dma_start3A_170] : memref<32768x1024xf32, #tpu.memory_space<hbm>> -> memref<1x1024xf32, #tpu.memory_space<hbm>>
      %dma_start3A_172 = arith.constant 0 : i32
      %dma_start3A_173 = tpu.memref_slice %arg4[%add3A_167, %dma_start3A_172] : memref<32768x1024xf32, #tpu.memory_space<hbm>> -> memref<1x1024xf32, #tpu.memory_space<hbm>>
      %dma_start3A_174 = arith.constant 0 : i32
      %dma_start3A_175 = tpu.memref_slice %arg5[%squeeze3A_166, %dma_start3A_174] : memref<32x1024xf32, #tpu.memory_space<vmem>> -> memref<1x1024xf32, #tpu.memory_space<vmem>>
      tpu.enqueue_dma source(%dma_start3A_175 : memref<1x1024xf32, #tpu.memory_space<vmem>>) target(%dma_start3A_173 : memref<1x1024xf32, #tpu.memory_space<hbm>>) target_semaphore(%arg8 : memref<!tpu.dma_semaphore, #tpu.memory_space<semaphore_mem>>)
    }
    %scan3A_27 = arith.constant 128 : i32
    %scan3A_28 = arith.constant 0 : i32
    %scan3A_29 = arith.constant 0 : i32
    %scan3A_30 = arith.constant 1024 : i32
    %scan3A_31 = arith.addi %scan3A_29, %scan3A_30 : i32
    %scan3A_32 = arith.constant 1 : i32
    scf.for %scan3A_34 = %scan3A_29 to %scan3A_31 step %scan3A_32  : i32 {
      %dma_wait3A_35 = arith.constant 0 : i32
      %dma_wait3A_36 = arith.constant 0 : i32
      %dma_wait3A_37 = tpu.memref_slice %arg5[%dma_wait3A_35, %dma_wait3A_36] : memref<32x1024xf32, #tpu.memory_space<vmem>> -> memref<1x1024xf32, #tpu.memory_space<vmem>>
      %dma_wait3A_38 = arith.constant 0 : i32
      %dma_wait3A_39 = tpu.memref_slice %arg4[%mul3A_2, %dma_wait3A_38] : memref<32768x1024xf32, #tpu.memory_space<hbm>> -> memref<1x1024xf32, #tpu.memory_space<hbm>>
      %dma_wait3A_40 = arith.constant 0 : i32
      %dma_wait3A_41 = tpu.memref_slice %arg4[%mul3A_2, %dma_wait3A_40] : memref<32768x1024xf32, #tpu.memory_space<hbm>> -> memref<1x1024xf32, #tpu.memory_space<hbm>>
      %dma_wait3A_42 = arith.constant 0 : i32
      %dma_wait3A_43 = arith.constant 0 : i32
      %dma_wait3A_44 = tpu.memref_slice %arg5[%dma_wait3A_42, %dma_wait3A_43] : memref<32x1024xf32, #tpu.memory_space<vmem>> -> memref<1x1024xf32, #tpu.memory_space<vmem>>
      tpu.wait_dma2 semaphore(%arg8 : memref<!tpu.dma_semaphore, #tpu.memory_space<semaphore_mem>>) src(%dma_wait3A_44 : memref<1x1024xf32, #tpu.memory_space<vmem>>) dst(%dma_wait3A_41 : memref<1x1024xf32, #tpu.memory_space<hbm>>)
    }
    %scan3A_33 = arith.constant 1024 : i32
    return
  }
}

module attributes {stable_mosaic.version = 14 : i64} {
  func.func @_levels_tc_kernel(%arg0: memref<4x8192xi32, #tpu.memory_space<vmem>>, %arg1: memref<32x1024xf32, #tpu.memory_space<vmem>>, %arg2: memref<4x8192xi32, #tpu.memory_space<vmem>>, %arg3: memref<32x32x1024xf32, #tpu.memory_space<vmem>>) attributes {dimension_semantics = [], scalar_prefetch = 0 : i64, scratch_operands = 0 : i64, tpu.core_type = #tpu.core_type<tc>} {
    %get3A = arith.constant 0 : index
    %get3A_0 = arith.constant 0 : index
    %get3A_1 = vector.load %arg0[%get3A, %get3A_0] : memref<4x8192xi32, #tpu.memory_space<vmem>>, vector<4x8192xi32>
    %eq3A = arith.constant 40 : i32
    %eq3A_2 = vector.broadcast %eq3A : i32 to vector<4x8192xi32>
    %eq3A_3 = arith.cmpi eq, %get3A_1, %eq3A_2 : vector<4x8192xi32>
    %eq3A_4 = arith.constant 91 : i32
    %eq3A_5 = vector.broadcast %eq3A_4 : i32 to vector<4x8192xi32>
    %eq3A_6 = arith.cmpi eq, %get3A_1, %eq3A_5 : vector<4x8192xi32>
    %or3A = arith.ori %eq3A_3, %eq3A_6 : vector<4x8192xi1>
    %eq3A_7 = arith.constant 123 : i32
    %eq3A_8 = vector.broadcast %eq3A_7 : i32 to vector<4x8192xi32>
    %eq3A_9 = arith.cmpi eq, %get3A_1, %eq3A_8 : vector<4x8192xi32>
    %or3A_10 = arith.ori %or3A, %eq3A_9 : vector<4x8192xi1>
    %eq3A_11 = arith.constant 41 : i32
    %eq3A_12 = vector.broadcast %eq3A_11 : i32 to vector<4x8192xi32>
    %eq3A_13 = arith.cmpi eq, %get3A_1, %eq3A_12 : vector<4x8192xi32>
    %eq3A_14 = arith.constant 93 : i32
    %eq3A_15 = vector.broadcast %eq3A_14 : i32 to vector<4x8192xi32>
    %eq3A_16 = arith.cmpi eq, %get3A_1, %eq3A_15 : vector<4x8192xi32>
    %or3A_17 = arith.ori %eq3A_13, %eq3A_16 : vector<4x8192xi1>
    %eq3A_18 = arith.constant 125 : i32
    %eq3A_19 = vector.broadcast %eq3A_18 : i32 to vector<4x8192xi32>
    %eq3A_20 = arith.cmpi eq, %get3A_1, %eq3A_19 : vector<4x8192xi32>
    %or3A_21 = arith.ori %or3A_17, %eq3A_20 : vector<4x8192xi1>
    %jit3A = arith.constant 1.000000e+00 : f32
    %jit3A_22 = arith.constant 0.000000e+00 : f32
    %broadcast_in_dim3A = vector.broadcast %jit3A : f32 to vector<4x8192xf32>
    %broadcast_in_dim3A_23 = vector.broadcast %jit3A_22 : f32 to vector<4x8192xf32>
    %select_n3A = arith.select %or3A_10, %broadcast_in_dim3A, %broadcast_in_dim3A_23 : vector<4x8192xi1>, vector<4x8192xf32>
    %jit3A_24 = arith.constant 1.000000e+00 : f32
    %jit3A_25 = arith.constant 0.000000e+00 : f32
    %broadcast_in_dim3A_26 = vector.broadcast %jit3A_24 : f32 to vector<4x8192xf32>
    %broadcast_in_dim3A_27 = vector.broadcast %jit3A_25 : f32 to vector<4x8192xf32>
    %select_n3A_28 = arith.select %or3A_21, %broadcast_in_dim3A_26, %broadcast_in_dim3A_27 : vector<4x8192xi1>, vector<4x8192xf32>
    %sub3A = arith.subf %select_n3A, %select_n3A_28 : vector<4x8192xf32>
    %jit3A_29 = arith.constant 0.000000e+00 : f32
    %jit3A_30 = arith.constant 0xC9800000 : f32
    %broadcast_in_dim3A_31 = vector.broadcast %jit3A_29 : f32 to vector<4x8192xf32>
    %broadcast_in_dim3A_32 = vector.broadcast %jit3A_30 : f32 to vector<4x8192xf32>
    %select_n3A_33 = arith.select %or3A_21, %broadcast_in_dim3A_31, %broadcast_in_dim3A_32 : vector<4x8192xi1>, vector<4x8192xf32>
    %jit3A_34 = arith.constant 3.100000e+01 : f32
    %jit3A_35 = arith.constant 0x49800000 : f32
    %broadcast_in_dim3A_36 = vector.broadcast %jit3A_34 : f32 to vector<4x8192xf32>
    %broadcast_in_dim3A_37 = vector.broadcast %jit3A_35 : f32 to vector<4x8192xf32>
    %select_n3A_38 = arith.select %or3A_10, %broadcast_in_dim3A_36, %broadcast_in_dim3A_37 : vector<4x8192xi1>, vector<4x8192xf32>
    %broadcast_in_dim3A_39 = arith.constant 0.000000e+00 : f32
    %broadcast_in_dim3A_40 = vector.broadcast %broadcast_in_dim3A_39 : f32 to vector<4x1xf32>
    %slice3A = vector.extract_strided_slice %sub3A {offsets = [0, 0], sizes = [4, 8191], strides = [1, 1]} : vector<4x8192xf32> to vector<4x8191xf32>
    %concatenate3A = tpu.concatenate %broadcast_in_dim3A_40, %slice3A in 1 : vector<4x1xf32>, vector<4x8191xf32> -> vector<4x8192xf32>
    %broadcast_in_dim3A_41 = arith.constant 0xC9800000 : f32
    %broadcast_in_dim3A_42 = vector.broadcast %broadcast_in_dim3A_41 : f32 to vector<4x1xf32>
    %slice3A_43 = vector.extract_strided_slice %select_n3A_33 {offsets = [0, 0], sizes = [4, 8191], strides = [1, 1]} : vector<4x8192xf32> to vector<4x8191xf32>
    %concatenate3A_44 = tpu.concatenate %broadcast_in_dim3A_42, %slice3A_43 in 1 : vector<4x1xf32>, vector<4x8191xf32> -> vector<4x8192xf32>
    %broadcast_in_dim3A_45 = arith.constant 0x49800000 : f32
    %broadcast_in_dim3A_46 = vector.broadcast %broadcast_in_dim3A_45 : f32 to vector<4x1xf32>
    %slice3A_47 = vector.extract_strided_slice %select_n3A_38 {offsets = [0, 0], sizes = [4, 8191], strides = [1, 1]} : vector<4x8192xf32> to vector<4x8191xf32>
    %concatenate3A_48 = tpu.concatenate %broadcast_in_dim3A_46, %slice3A_47 in 1 : vector<4x1xf32>, vector<4x8191xf32> -> vector<4x8192xf32>
    %add3A = arith.addf %concatenate3A, %sub3A : vector<4x8192xf32>
    %add3A_49 = arith.addf %concatenate3A_44, %sub3A : vector<4x8192xf32>
    %max3A = arith.maximumf %select_n3A_33, %add3A_49 : vector<4x8192xf32>
    %min3A = arith.minimumf %select_n3A_38, %max3A : vector<4x8192xf32>
    %add3A_50 = arith.addf %concatenate3A_48, %sub3A : vector<4x8192xf32>
    %max3A_51 = arith.maximumf %select_n3A_33, %add3A_50 : vector<4x8192xf32>
    %min3A_52 = arith.minimumf %select_n3A_38, %max3A_51 : vector<4x8192xf32>
    %broadcast_in_dim3A_53 = arith.constant 0.000000e+00 : f32
    %broadcast_in_dim3A_54 = vector.broadcast %broadcast_in_dim3A_53 : f32 to vector<4x2xf32>
    %slice3A_55 = vector.extract_strided_slice %add3A {offsets = [0, 0], sizes = [4, 8190], strides = [1, 1]} : vector<4x8192xf32> to vector<4x8190xf32>
    %concatenate3A_56 = tpu.concatenate %broadcast_in_dim3A_54, %slice3A_55 in 1 : vector<4x2xf32>, vector<4x8190xf32> -> vector<4x8192xf32>
    %broadcast_in_dim3A_57 = arith.constant 0xC9800000 : f32
    %broadcast_in_dim3A_58 = vector.broadcast %broadcast_in_dim3A_57 : f32 to vector<4x2xf32>
    %slice3A_59 = vector.extract_strided_slice %min3A {offsets = [0, 0], sizes = [4, 8190], strides = [1, 1]} : vector<4x8192xf32> to vector<4x8190xf32>
    %concatenate3A_60 = tpu.concatenate %broadcast_in_dim3A_58, %slice3A_59 in 1 : vector<4x2xf32>, vector<4x8190xf32> -> vector<4x8192xf32>
    %broadcast_in_dim3A_61 = arith.constant 0x49800000 : f32
    %broadcast_in_dim3A_62 = vector.broadcast %broadcast_in_dim3A_61 : f32 to vector<4x2xf32>
    %slice3A_63 = vector.extract_strided_slice %min3A_52 {offsets = [0, 0], sizes = [4, 8190], strides = [1, 1]} : vector<4x8192xf32> to vector<4x8190xf32>
    %concatenate3A_64 = tpu.concatenate %broadcast_in_dim3A_62, %slice3A_63 in 1 : vector<4x2xf32>, vector<4x8190xf32> -> vector<4x8192xf32>
    %add3A_65 = arith.addf %concatenate3A_56, %add3A : vector<4x8192xf32>
    %add3A_66 = arith.addf %concatenate3A_60, %add3A : vector<4x8192xf32>
    %max3A_67 = arith.maximumf %min3A, %add3A_66 : vector<4x8192xf32>
    %min3A_68 = arith.minimumf %min3A_52, %max3A_67 : vector<4x8192xf32>
    %add3A_69 = arith.addf %concatenate3A_64, %add3A : vector<4x8192xf32>
    %max3A_70 = arith.maximumf %min3A, %add3A_69 : vector<4x8192xf32>
    %min3A_71 = arith.minimumf %min3A_52, %max3A_70 : vector<4x8192xf32>
    %broadcast_in_dim3A_72 = arith.constant 0.000000e+00 : f32
    %broadcast_in_dim3A_73 = vector.broadcast %broadcast_in_dim3A_72 : f32 to vector<4x4xf32>
    %slice3A_74 = vector.extract_strided_slice %add3A_65 {offsets = [0, 0], sizes = [4, 8188], strides = [1, 1]} : vector<4x8192xf32> to vector<4x8188xf32>
    %concatenate3A_75 = tpu.concatenate %broadcast_in_dim3A_73, %slice3A_74 in 1 : vector<4x4xf32>, vector<4x8188xf32> -> vector<4x8192xf32>
    %broadcast_in_dim3A_76 = arith.constant 0xC9800000 : f32
    %broadcast_in_dim3A_77 = vector.broadcast %broadcast_in_dim3A_76 : f32 to vector<4x4xf32>
    %slice3A_78 = vector.extract_strided_slice %min3A_68 {offsets = [0, 0], sizes = [4, 8188], strides = [1, 1]} : vector<4x8192xf32> to vector<4x8188xf32>
    %concatenate3A_79 = tpu.concatenate %broadcast_in_dim3A_77, %slice3A_78 in 1 : vector<4x4xf32>, vector<4x8188xf32> -> vector<4x8192xf32>
    %broadcast_in_dim3A_80 = arith.constant 0x49800000 : f32
    %broadcast_in_dim3A_81 = vector.broadcast %broadcast_in_dim3A_80 : f32 to vector<4x4xf32>
    %slice3A_82 = vector.extract_strided_slice %min3A_71 {offsets = [0, 0], sizes = [4, 8188], strides = [1, 1]} : vector<4x8192xf32> to vector<4x8188xf32>
    %concatenate3A_83 = tpu.concatenate %broadcast_in_dim3A_81, %slice3A_82 in 1 : vector<4x4xf32>, vector<4x8188xf32> -> vector<4x8192xf32>
    %add3A_84 = arith.addf %concatenate3A_75, %add3A_65 : vector<4x8192xf32>
    %add3A_85 = arith.addf %concatenate3A_79, %add3A_65 : vector<4x8192xf32>
    %max3A_86 = arith.maximumf %min3A_68, %add3A_85 : vector<4x8192xf32>
    %min3A_87 = arith.minimumf %min3A_71, %max3A_86 : vector<4x8192xf32>
    %add3A_88 = arith.addf %concatenate3A_83, %add3A_65 : vector<4x8192xf32>
    %max3A_89 = arith.maximumf %min3A_68, %add3A_88 : vector<4x8192xf32>
    %min3A_90 = arith.minimumf %min3A_71, %max3A_89 : vector<4x8192xf32>
    %broadcast_in_dim3A_91 = arith.constant 0.000000e+00 : f32
    %broadcast_in_dim3A_92 = vector.broadcast %broadcast_in_dim3A_91 : f32 to vector<4x8xf32>
    %slice3A_93 = vector.extract_strided_slice %add3A_84 {offsets = [0, 0], sizes = [4, 8184], strides = [1, 1]} : vector<4x8192xf32> to vector<4x8184xf32>
    %concatenate3A_94 = tpu.concatenate %broadcast_in_dim3A_92, %slice3A_93 in 1 : vector<4x8xf32>, vector<4x8184xf32> -> vector<4x8192xf32>
    %broadcast_in_dim3A_95 = arith.constant 0xC9800000 : f32
    %broadcast_in_dim3A_96 = vector.broadcast %broadcast_in_dim3A_95 : f32 to vector<4x8xf32>
    %slice3A_97 = vector.extract_strided_slice %min3A_87 {offsets = [0, 0], sizes = [4, 8184], strides = [1, 1]} : vector<4x8192xf32> to vector<4x8184xf32>
    %concatenate3A_98 = tpu.concatenate %broadcast_in_dim3A_96, %slice3A_97 in 1 : vector<4x8xf32>, vector<4x8184xf32> -> vector<4x8192xf32>
    %broadcast_in_dim3A_99 = arith.constant 0x49800000 : f32
    %broadcast_in_dim3A_100 = vector.broadcast %broadcast_in_dim3A_99 : f32 to vector<4x8xf32>
    %slice3A_101 = vector.extract_strided_slice %min3A_90 {offsets = [0, 0], sizes = [4, 8184], strides = [1, 1]} : vector<4x8192xf32> to vector<4x8184xf32>
    %concatenate3A_102 = tpu.concatenate %broadcast_in_dim3A_100, %slice3A_101 in 1 : vector<4x8xf32>, vector<4x8184xf32> -> vector<4x8192xf32>
    %add3A_103 = arith.addf %concatenate3A_94, %add3A_84 : vector<4x8192xf32>
    %add3A_104 = arith.addf %concatenate3A_98, %add3A_84 : vector<4x8192xf32>
    %max3A_105 = arith.maximumf %min3A_87, %add3A_104 : vector<4x8192xf32>
    %min3A_106 = arith.minimumf %min3A_90, %max3A_105 : vector<4x8192xf32>
    %add3A_107 = arith.addf %concatenate3A_102, %add3A_84 : vector<4x8192xf32>
    %max3A_108 = arith.maximumf %min3A_87, %add3A_107 : vector<4x8192xf32>
    %min3A_109 = arith.minimumf %min3A_90, %max3A_108 : vector<4x8192xf32>
    %broadcast_in_dim3A_110 = arith.constant 0.000000e+00 : f32
    %broadcast_in_dim3A_111 = vector.broadcast %broadcast_in_dim3A_110 : f32 to vector<4x16xf32>
    %slice3A_112 = vector.extract_strided_slice %add3A_103 {offsets = [0, 0], sizes = [4, 8176], strides = [1, 1]} : vector<4x8192xf32> to vector<4x8176xf32>
    %concatenate3A_113 = tpu.concatenate %broadcast_in_dim3A_111, %slice3A_112 in 1 : vector<4x16xf32>, vector<4x8176xf32> -> vector<4x8192xf32>
    %broadcast_in_dim3A_114 = arith.constant 0xC9800000 : f32
    %broadcast_in_dim3A_115 = vector.broadcast %broadcast_in_dim3A_114 : f32 to vector<4x16xf32>
    %slice3A_116 = vector.extract_strided_slice %min3A_106 {offsets = [0, 0], sizes = [4, 8176], strides = [1, 1]} : vector<4x8192xf32> to vector<4x8176xf32>
    %concatenate3A_117 = tpu.concatenate %broadcast_in_dim3A_115, %slice3A_116 in 1 : vector<4x16xf32>, vector<4x8176xf32> -> vector<4x8192xf32>
    %broadcast_in_dim3A_118 = arith.constant 0x49800000 : f32
    %broadcast_in_dim3A_119 = vector.broadcast %broadcast_in_dim3A_118 : f32 to vector<4x16xf32>
    %slice3A_120 = vector.extract_strided_slice %min3A_109 {offsets = [0, 0], sizes = [4, 8176], strides = [1, 1]} : vector<4x8192xf32> to vector<4x8176xf32>
    %concatenate3A_121 = tpu.concatenate %broadcast_in_dim3A_119, %slice3A_120 in 1 : vector<4x16xf32>, vector<4x8176xf32> -> vector<4x8192xf32>
    %add3A_122 = arith.addf %concatenate3A_113, %add3A_103 : vector<4x8192xf32>
    %add3A_123 = arith.addf %concatenate3A_117, %add3A_103 : vector<4x8192xf32>
    %max3A_124 = arith.maximumf %min3A_106, %add3A_123 : vector<4x8192xf32>
    %min3A_125 = arith.minimumf %min3A_109, %max3A_124 : vector<4x8192xf32>
    %add3A_126 = arith.addf %concatenate3A_121, %add3A_103 : vector<4x8192xf32>
    %max3A_127 = arith.maximumf %min3A_106, %add3A_126 : vector<4x8192xf32>
    %min3A_128 = arith.minimumf %min3A_109, %max3A_127 : vector<4x8192xf32>
    %broadcast_in_dim3A_129 = arith.constant 0.000000e+00 : f32
    %broadcast_in_dim3A_130 = vector.broadcast %broadcast_in_dim3A_129 : f32 to vector<4x32xf32>
    %slice3A_131 = vector.extract_strided_slice %add3A_122 {offsets = [0, 0], sizes = [4, 8160], strides = [1, 1]} : vector<4x8192xf32> to vector<4x8160xf32>
    %concatenate3A_132 = tpu.concatenate %broadcast_in_dim3A_130, %slice3A_131 in 1 : vector<4x32xf32>, vector<4x8160xf32> -> vector<4x8192xf32>
    %broadcast_in_dim3A_133 = arith.constant 0xC9800000 : f32
    %broadcast_in_dim3A_134 = vector.broadcast %broadcast_in_dim3A_133 : f32 to vector<4x32xf32>
    %slice3A_135 = vector.extract_strided_slice %min3A_125 {offsets = [0, 0], sizes = [4, 8160], strides = [1, 1]} : vector<4x8192xf32> to vector<4x8160xf32>
    %concatenate3A_136 = tpu.concatenate %broadcast_in_dim3A_134, %slice3A_135 in 1 : vector<4x32xf32>, vector<4x8160xf32> -> vector<4x8192xf32>
    %broadcast_in_dim3A_137 = arith.constant 0x49800000 : f32
    %broadcast_in_dim3A_138 = vector.broadcast %broadcast_in_dim3A_137 : f32 to vector<4x32xf32>
    %slice3A_139 = vector.extract_strided_slice %min3A_128 {offsets = [0, 0], sizes = [4, 8160], strides = [1, 1]} : vector<4x8192xf32> to vector<4x8160xf32>
    %concatenate3A_140 = tpu.concatenate %broadcast_in_dim3A_138, %slice3A_139 in 1 : vector<4x32xf32>, vector<4x8160xf32> -> vector<4x8192xf32>
    %add3A_141 = arith.addf %concatenate3A_132, %add3A_122 : vector<4x8192xf32>
    %add3A_142 = arith.addf %concatenate3A_136, %add3A_122 : vector<4x8192xf32>
    %max3A_143 = arith.maximumf %min3A_125, %add3A_142 : vector<4x8192xf32>
    %min3A_144 = arith.minimumf %min3A_128, %max3A_143 : vector<4x8192xf32>
    %add3A_145 = arith.addf %concatenate3A_140, %add3A_122 : vector<4x8192xf32>
    %max3A_146 = arith.maximumf %min3A_125, %add3A_145 : vector<4x8192xf32>
    %min3A_147 = arith.minimumf %min3A_128, %max3A_146 : vector<4x8192xf32>
    %broadcast_in_dim3A_148 = arith.constant 0.000000e+00 : f32
    %broadcast_in_dim3A_149 = vector.broadcast %broadcast_in_dim3A_148 : f32 to vector<4x64xf32>
    %slice3A_150 = vector.extract_strided_slice %add3A_141 {offsets = [0, 0], sizes = [4, 8128], strides = [1, 1]} : vector<4x8192xf32> to vector<4x8128xf32>
    %concatenate3A_151 = tpu.concatenate %broadcast_in_dim3A_149, %slice3A_150 in 1 : vector<4x64xf32>, vector<4x8128xf32> -> vector<4x8192xf32>
    %broadcast_in_dim3A_152 = arith.constant 0xC9800000 : f32
    %broadcast_in_dim3A_153 = vector.broadcast %broadcast_in_dim3A_152 : f32 to vector<4x64xf32>
    %slice3A_154 = vector.extract_strided_slice %min3A_144 {offsets = [0, 0], sizes = [4, 8128], strides = [1, 1]} : vector<4x8192xf32> to vector<4x8128xf32>
    %concatenate3A_155 = tpu.concatenate %broadcast_in_dim3A_153, %slice3A_154 in 1 : vector<4x64xf32>, vector<4x8128xf32> -> vector<4x8192xf32>
    %broadcast_in_dim3A_156 = arith.constant 0x49800000 : f32
    %broadcast_in_dim3A_157 = vector.broadcast %broadcast_in_dim3A_156 : f32 to vector<4x64xf32>
    %slice3A_158 = vector.extract_strided_slice %min3A_147 {offsets = [0, 0], sizes = [4, 8128], strides = [1, 1]} : vector<4x8192xf32> to vector<4x8128xf32>
    %concatenate3A_159 = tpu.concatenate %broadcast_in_dim3A_157, %slice3A_158 in 1 : vector<4x64xf32>, vector<4x8128xf32> -> vector<4x8192xf32>
    %add3A_160 = arith.addf %concatenate3A_151, %add3A_141 : vector<4x8192xf32>
    %add3A_161 = arith.addf %concatenate3A_155, %add3A_141 : vector<4x8192xf32>
    %max3A_162 = arith.maximumf %min3A_144, %add3A_161 : vector<4x8192xf32>
    %min3A_163 = arith.minimumf %min3A_147, %max3A_162 : vector<4x8192xf32>
    %add3A_164 = arith.addf %concatenate3A_159, %add3A_141 : vector<4x8192xf32>
    %max3A_165 = arith.maximumf %min3A_144, %add3A_164 : vector<4x8192xf32>
    %min3A_166 = arith.minimumf %min3A_147, %max3A_165 : vector<4x8192xf32>
    %broadcast_in_dim3A_167 = arith.constant 0.000000e+00 : f32
    %broadcast_in_dim3A_168 = vector.broadcast %broadcast_in_dim3A_167 : f32 to vector<4x128xf32>
    %slice3A_169 = vector.extract_strided_slice %add3A_160 {offsets = [0, 0], sizes = [4, 8064], strides = [1, 1]} : vector<4x8192xf32> to vector<4x8064xf32>
    %concatenate3A_170 = tpu.concatenate %broadcast_in_dim3A_168, %slice3A_169 in 1 : vector<4x128xf32>, vector<4x8064xf32> -> vector<4x8192xf32>
    %broadcast_in_dim3A_171 = arith.constant 0xC9800000 : f32
    %broadcast_in_dim3A_172 = vector.broadcast %broadcast_in_dim3A_171 : f32 to vector<4x128xf32>
    %slice3A_173 = vector.extract_strided_slice %min3A_163 {offsets = [0, 0], sizes = [4, 8064], strides = [1, 1]} : vector<4x8192xf32> to vector<4x8064xf32>
    %concatenate3A_174 = tpu.concatenate %broadcast_in_dim3A_172, %slice3A_173 in 1 : vector<4x128xf32>, vector<4x8064xf32> -> vector<4x8192xf32>
    %broadcast_in_dim3A_175 = arith.constant 0x49800000 : f32
    %broadcast_in_dim3A_176 = vector.broadcast %broadcast_in_dim3A_175 : f32 to vector<4x128xf32>
    %slice3A_177 = vector.extract_strided_slice %min3A_166 {offsets = [0, 0], sizes = [4, 8064], strides = [1, 1]} : vector<4x8192xf32> to vector<4x8064xf32>
    %concatenate3A_178 = tpu.concatenate %broadcast_in_dim3A_176, %slice3A_177 in 1 : vector<4x128xf32>, vector<4x8064xf32> -> vector<4x8192xf32>
    %add3A_179 = arith.addf %concatenate3A_170, %add3A_160 : vector<4x8192xf32>
    %add3A_180 = arith.addf %concatenate3A_174, %add3A_160 : vector<4x8192xf32>
    %max3A_181 = arith.maximumf %min3A_163, %add3A_180 : vector<4x8192xf32>
    %min3A_182 = arith.minimumf %min3A_166, %max3A_181 : vector<4x8192xf32>
    %add3A_183 = arith.addf %concatenate3A_178, %add3A_160 : vector<4x8192xf32>
    %max3A_184 = arith.maximumf %min3A_163, %add3A_183 : vector<4x8192xf32>
    %min3A_185 = arith.minimumf %min3A_166, %max3A_184 : vector<4x8192xf32>
    %broadcast_in_dim3A_186 = arith.constant 0.000000e+00 : f32
    %broadcast_in_dim3A_187 = vector.broadcast %broadcast_in_dim3A_186 : f32 to vector<4x256xf32>
    %slice3A_188 = vector.extract_strided_slice %add3A_179 {offsets = [0, 0], sizes = [4, 7936], strides = [1, 1]} : vector<4x8192xf32> to vector<4x7936xf32>
    %concatenate3A_189 = tpu.concatenate %broadcast_in_dim3A_187, %slice3A_188 in 1 : vector<4x256xf32>, vector<4x7936xf32> -> vector<4x8192xf32>
    %broadcast_in_dim3A_190 = arith.constant 0xC9800000 : f32
    %broadcast_in_dim3A_191 = vector.broadcast %broadcast_in_dim3A_190 : f32 to vector<4x256xf32>
    %slice3A_192 = vector.extract_strided_slice %min3A_182 {offsets = [0, 0], sizes = [4, 7936], strides = [1, 1]} : vector<4x8192xf32> to vector<4x7936xf32>
    %concatenate3A_193 = tpu.concatenate %broadcast_in_dim3A_191, %slice3A_192 in 1 : vector<4x256xf32>, vector<4x7936xf32> -> vector<4x8192xf32>
    %broadcast_in_dim3A_194 = arith.constant 0x49800000 : f32
    %broadcast_in_dim3A_195 = vector.broadcast %broadcast_in_dim3A_194 : f32 to vector<4x256xf32>
    %slice3A_196 = vector.extract_strided_slice %min3A_185 {offsets = [0, 0], sizes = [4, 7936], strides = [1, 1]} : vector<4x8192xf32> to vector<4x7936xf32>
    %concatenate3A_197 = tpu.concatenate %broadcast_in_dim3A_195, %slice3A_196 in 1 : vector<4x256xf32>, vector<4x7936xf32> -> vector<4x8192xf32>
    %add3A_198 = arith.addf %concatenate3A_189, %add3A_179 : vector<4x8192xf32>
    %add3A_199 = arith.addf %concatenate3A_193, %add3A_179 : vector<4x8192xf32>
    %max3A_200 = arith.maximumf %min3A_182, %add3A_199 : vector<4x8192xf32>
    %min3A_201 = arith.minimumf %min3A_185, %max3A_200 : vector<4x8192xf32>
    %add3A_202 = arith.addf %concatenate3A_197, %add3A_179 : vector<4x8192xf32>
    %max3A_203 = arith.maximumf %min3A_182, %add3A_202 : vector<4x8192xf32>
    %min3A_204 = arith.minimumf %min3A_185, %max3A_203 : vector<4x8192xf32>
    %broadcast_in_dim3A_205 = arith.constant 0.000000e+00 : f32
    %broadcast_in_dim3A_206 = vector.broadcast %broadcast_in_dim3A_205 : f32 to vector<4x512xf32>
    %slice3A_207 = vector.extract_strided_slice %add3A_198 {offsets = [0, 0], sizes = [4, 7680], strides = [1, 1]} : vector<4x8192xf32> to vector<4x7680xf32>
    %concatenate3A_208 = tpu.concatenate %broadcast_in_dim3A_206, %slice3A_207 in 1 : vector<4x512xf32>, vector<4x7680xf32> -> vector<4x8192xf32>
    %broadcast_in_dim3A_209 = arith.constant 0xC9800000 : f32
    %broadcast_in_dim3A_210 = vector.broadcast %broadcast_in_dim3A_209 : f32 to vector<4x512xf32>
    %slice3A_211 = vector.extract_strided_slice %min3A_201 {offsets = [0, 0], sizes = [4, 7680], strides = [1, 1]} : vector<4x8192xf32> to vector<4x7680xf32>
    %concatenate3A_212 = tpu.concatenate %broadcast_in_dim3A_210, %slice3A_211 in 1 : vector<4x512xf32>, vector<4x7680xf32> -> vector<4x8192xf32>
    %broadcast_in_dim3A_213 = arith.constant 0x49800000 : f32
    %broadcast_in_dim3A_214 = vector.broadcast %broadcast_in_dim3A_213 : f32 to vector<4x512xf32>
    %slice3A_215 = vector.extract_strided_slice %min3A_204 {offsets = [0, 0], sizes = [4, 7680], strides = [1, 1]} : vector<4x8192xf32> to vector<4x7680xf32>
    %concatenate3A_216 = tpu.concatenate %broadcast_in_dim3A_214, %slice3A_215 in 1 : vector<4x512xf32>, vector<4x7680xf32> -> vector<4x8192xf32>
    %add3A_217 = arith.addf %concatenate3A_208, %add3A_198 : vector<4x8192xf32>
    %add3A_218 = arith.addf %concatenate3A_212, %add3A_198 : vector<4x8192xf32>
    %max3A_219 = arith.maximumf %min3A_201, %add3A_218 : vector<4x8192xf32>
    %min3A_220 = arith.minimumf %min3A_204, %max3A_219 : vector<4x8192xf32>
    %add3A_221 = arith.addf %concatenate3A_216, %add3A_198 : vector<4x8192xf32>
    %max3A_222 = arith.maximumf %min3A_201, %add3A_221 : vector<4x8192xf32>
    %min3A_223 = arith.minimumf %min3A_204, %max3A_222 : vector<4x8192xf32>
    %broadcast_in_dim3A_224 = arith.constant 0.000000e+00 : f32
    %broadcast_in_dim3A_225 = vector.broadcast %broadcast_in_dim3A_224 : f32 to vector<4x1024xf32>
    %slice3A_226 = vector.extract_strided_slice %add3A_217 {offsets = [0, 0], sizes = [4, 7168], strides = [1, 1]} : vector<4x8192xf32> to vector<4x7168xf32>
    %concatenate3A_227 = tpu.concatenate %broadcast_in_dim3A_225, %slice3A_226 in 1 : vector<4x1024xf32>, vector<4x7168xf32> -> vector<4x8192xf32>
    %broadcast_in_dim3A_228 = arith.constant 0xC9800000 : f32
    %broadcast_in_dim3A_229 = vector.broadcast %broadcast_in_dim3A_228 : f32 to vector<4x1024xf32>
    %slice3A_230 = vector.extract_strided_slice %min3A_220 {offsets = [0, 0], sizes = [4, 7168], strides = [1, 1]} : vector<4x8192xf32> to vector<4x7168xf32>
    %concatenate3A_231 = tpu.concatenate %broadcast_in_dim3A_229, %slice3A_230 in 1 : vector<4x1024xf32>, vector<4x7168xf32> -> vector<4x8192xf32>
    %broadcast_in_dim3A_232 = arith.constant 0x49800000 : f32
    %broadcast_in_dim3A_233 = vector.broadcast %broadcast_in_dim3A_232 : f32 to vector<4x1024xf32>
    %slice3A_234 = vector.extract_strided_slice %min3A_223 {offsets = [0, 0], sizes = [4, 7168], strides = [1, 1]} : vector<4x8192xf32> to vector<4x7168xf32>
    %concatenate3A_235 = tpu.concatenate %broadcast_in_dim3A_233, %slice3A_234 in 1 : vector<4x1024xf32>, vector<4x7168xf32> -> vector<4x8192xf32>
    %add3A_236 = arith.addf %concatenate3A_227, %add3A_217 : vector<4x8192xf32>
    %add3A_237 = arith.addf %concatenate3A_231, %add3A_217 : vector<4x8192xf32>
    %max3A_238 = arith.maximumf %min3A_220, %add3A_237 : vector<4x8192xf32>
    %min3A_239 = arith.minimumf %min3A_223, %max3A_238 : vector<4x8192xf32>
    %add3A_240 = arith.addf %concatenate3A_235, %add3A_217 : vector<4x8192xf32>
    %max3A_241 = arith.maximumf %min3A_220, %add3A_240 : vector<4x8192xf32>
    %min3A_242 = arith.minimumf %min3A_223, %max3A_241 : vector<4x8192xf32>
    %broadcast_in_dim3A_243 = arith.constant 0.000000e+00 : f32
    %broadcast_in_dim3A_244 = vector.broadcast %broadcast_in_dim3A_243 : f32 to vector<4x2048xf32>
    %slice3A_245 = vector.extract_strided_slice %add3A_236 {offsets = [0, 0], sizes = [4, 6144], strides = [1, 1]} : vector<4x8192xf32> to vector<4x6144xf32>
    %concatenate3A_246 = tpu.concatenate %broadcast_in_dim3A_244, %slice3A_245 in 1 : vector<4x2048xf32>, vector<4x6144xf32> -> vector<4x8192xf32>
    %broadcast_in_dim3A_247 = arith.constant 0xC9800000 : f32
    %broadcast_in_dim3A_248 = vector.broadcast %broadcast_in_dim3A_247 : f32 to vector<4x2048xf32>
    %slice3A_249 = vector.extract_strided_slice %min3A_239 {offsets = [0, 0], sizes = [4, 6144], strides = [1, 1]} : vector<4x8192xf32> to vector<4x6144xf32>
    %concatenate3A_250 = tpu.concatenate %broadcast_in_dim3A_248, %slice3A_249 in 1 : vector<4x2048xf32>, vector<4x6144xf32> -> vector<4x8192xf32>
    %broadcast_in_dim3A_251 = arith.constant 0x49800000 : f32
    %broadcast_in_dim3A_252 = vector.broadcast %broadcast_in_dim3A_251 : f32 to vector<4x2048xf32>
    %slice3A_253 = vector.extract_strided_slice %min3A_242 {offsets = [0, 0], sizes = [4, 6144], strides = [1, 1]} : vector<4x8192xf32> to vector<4x6144xf32>
    %concatenate3A_254 = tpu.concatenate %broadcast_in_dim3A_252, %slice3A_253 in 1 : vector<4x2048xf32>, vector<4x6144xf32> -> vector<4x8192xf32>
    %add3A_255 = arith.addf %concatenate3A_246, %add3A_236 : vector<4x8192xf32>
    %add3A_256 = arith.addf %concatenate3A_250, %add3A_236 : vector<4x8192xf32>
    %max3A_257 = arith.maximumf %min3A_239, %add3A_256 : vector<4x8192xf32>
    %min3A_258 = arith.minimumf %min3A_242, %max3A_257 : vector<4x8192xf32>
    %add3A_259 = arith.addf %concatenate3A_254, %add3A_236 : vector<4x8192xf32>
    %max3A_260 = arith.maximumf %min3A_239, %add3A_259 : vector<4x8192xf32>
    %min3A_261 = arith.minimumf %min3A_242, %max3A_260 : vector<4x8192xf32>
    %broadcast_in_dim3A_262 = arith.constant 0.000000e+00 : f32
    %broadcast_in_dim3A_263 = vector.broadcast %broadcast_in_dim3A_262 : f32 to vector<4x4096xf32>
    %slice3A_264 = vector.extract_strided_slice %add3A_255 {offsets = [0, 0], sizes = [4, 4096], strides = [1, 1]} : vector<4x8192xf32> to vector<4x4096xf32>
    %concatenate3A_265 = tpu.concatenate %broadcast_in_dim3A_263, %slice3A_264 in 1 : vector<4x4096xf32>, vector<4x4096xf32> -> vector<4x8192xf32>
    %broadcast_in_dim3A_266 = arith.constant 0xC9800000 : f32
    %broadcast_in_dim3A_267 = vector.broadcast %broadcast_in_dim3A_266 : f32 to vector<4x4096xf32>
    %slice3A_268 = vector.extract_strided_slice %min3A_258 {offsets = [0, 0], sizes = [4, 4096], strides = [1, 1]} : vector<4x8192xf32> to vector<4x4096xf32>
    %concatenate3A_269 = tpu.concatenate %broadcast_in_dim3A_267, %slice3A_268 in 1 : vector<4x4096xf32>, vector<4x4096xf32> -> vector<4x8192xf32>
    %broadcast_in_dim3A_270 = arith.constant 0x49800000 : f32
    %broadcast_in_dim3A_271 = vector.broadcast %broadcast_in_dim3A_270 : f32 to vector<4x4096xf32>
    %slice3A_272 = vector.extract_strided_slice %min3A_261 {offsets = [0, 0], sizes = [4, 4096], strides = [1, 1]} : vector<4x8192xf32> to vector<4x4096xf32>
    %concatenate3A_273 = tpu.concatenate %broadcast_in_dim3A_271, %slice3A_272 in 1 : vector<4x4096xf32>, vector<4x4096xf32> -> vector<4x8192xf32>
    %add3A_274 = arith.addf %concatenate3A_265, %add3A_255 : vector<4x8192xf32>
    %add3A_275 = arith.addf %concatenate3A_269, %add3A_255 : vector<4x8192xf32>
    %max3A_276 = arith.maximumf %min3A_258, %add3A_275 : vector<4x8192xf32>
    %min3A_277 = arith.minimumf %min3A_261, %max3A_276 : vector<4x8192xf32>
    %add3A_278 = arith.addf %concatenate3A_273, %add3A_255 : vector<4x8192xf32>
    %max3A_279 = arith.maximumf %min3A_258, %add3A_278 : vector<4x8192xf32>
    %min3A_280 = arith.minimumf %min3A_261, %max3A_279 : vector<4x8192xf32>
    %max3A_281 = arith.maximumf %min3A_277, %add3A_274 : vector<4x8192xf32>
    %min3A_282 = arith.minimumf %min3A_280, %max3A_281 : vector<4x8192xf32>
    %convert_element_type3A = arith.fptosi %min3A_282 : vector<4x8192xf32> to vector<4x8192xi32>
    %swap3A = arith.constant 0 : index
    %swap3A_283 = arith.constant 0 : index
    %swap3A_284 = vector.load %arg2[%swap3A, %swap3A_283] : memref<4x8192xi32, #tpu.memory_space<vmem>>, vector<4x8192xi32>
    tpu.vector_store %arg2[%swap3A, %swap3A_283], %convert_element_type3A {strides = array<i32>} : memref<4x8192xi32, #tpu.memory_space<vmem>>, vector<4x8192xi32>,
    %get3A_285 = arith.constant 0 : index
    %get3A_286 = arith.constant 0 : index
    %get3A_287 = vector.load %arg1[%get3A_285, %get3A_286] : memref<32x1024xf32, #tpu.memory_space<vmem>>, vector<32x1024xf32>
    %mul3A = arith.constant 1.500000e-01 : f32
    %mul3A_288 = vector.broadcast %mul3A : f32 to vector<32x1024xf32>
    %mul3A_289 = arith.mulf %get3A_287, %mul3A_288 : vector<32x1024xf32>
    %swap3A_290 = arith.constant 0 : index
    %swap3A_291 = arith.constant 0 : index
    %swap3A_292 = arith.constant 0 : index
    %swap3A_293 = vector.load %arg3[%swap3A_290, %swap3A_291, %swap3A_292] : memref<32x32x1024xf32, #tpu.memory_space<vmem>>, vector<1x32x1024xf32>
    %swap3A_294 = vector.shape_cast %swap3A_293 : vector<1x32x1024xf32> to vector<32x1024xf32>
    %swap3A_295 = vector.shape_cast %mul3A_289 : vector<32x1024xf32> to vector<1x32x1024xf32>
    tpu.vector_store %arg3[%swap3A_290, %swap3A_291, %swap3A_292], %swap3A_295 {strides = array<i32>} : memref<32x32x1024xf32, #tpu.memory_space<vmem>>, vector<1x32x1024xf32>,
    %swap3A_296 = arith.constant 1 : index
    %swap3A_297 = arith.constant 0 : index
    %swap3A_298 = arith.constant 0 : index
    %swap3A_299 = vector.load %arg3[%swap3A_296, %swap3A_297, %swap3A_298] : memref<32x32x1024xf32, #tpu.memory_space<vmem>>, vector<1x32x1024xf32>
    %swap3A_300 = vector.shape_cast %swap3A_299 : vector<1x32x1024xf32> to vector<32x1024xf32>
    %swap3A_301 = vector.shape_cast %mul3A_289 : vector<32x1024xf32> to vector<1x32x1024xf32>
    tpu.vector_store %arg3[%swap3A_296, %swap3A_297, %swap3A_298], %swap3A_301 {strides = array<i32>} : memref<32x32x1024xf32, #tpu.memory_space<vmem>>, vector<1x32x1024xf32>,
    %swap3A_302 = arith.constant 2 : index
    %swap3A_303 = arith.constant 0 : index
    %swap3A_304 = arith.constant 0 : index
    %swap3A_305 = vector.load %arg3[%swap3A_302, %swap3A_303, %swap3A_304] : memref<32x32x1024xf32, #tpu.memory_space<vmem>>, vector<1x32x1024xf32>
    %swap3A_306 = vector.shape_cast %swap3A_305 : vector<1x32x1024xf32> to vector<32x1024xf32>
    %swap3A_307 = vector.shape_cast %mul3A_289 : vector<32x1024xf32> to vector<1x32x1024xf32>
    tpu.vector_store %arg3[%swap3A_302, %swap3A_303, %swap3A_304], %swap3A_307 {strides = array<i32>} : memref<32x32x1024xf32, #tpu.memory_space<vmem>>, vector<1x32x1024xf32>,
    %swap3A_308 = arith.constant 3 : index
    %swap3A_309 = arith.constant 0 : index
    %swap3A_310 = arith.constant 0 : index
    %swap3A_311 = vector.load %arg3[%swap3A_308, %swap3A_309, %swap3A_310] : memref<32x32x1024xf32, #tpu.memory_space<vmem>>, vector<1x32x1024xf32>
    %swap3A_312 = vector.shape_cast %swap3A_311 : vector<1x32x1024xf32> to vector<32x1024xf32>
    %swap3A_313 = vector.shape_cast %mul3A_289 : vector<32x1024xf32> to vector<1x32x1024xf32>
    tpu.vector_store %arg3[%swap3A_308, %swap3A_309, %swap3A_310], %swap3A_313 {strides = array<i32>} : memref<32x32x1024xf32, #tpu.memory_space<vmem>>, vector<1x32x1024xf32>,
    %swap3A_314 = arith.constant 4 : index
    %swap3A_315 = arith.constant 0 : index
    %swap3A_316 = arith.constant 0 : index
    %swap3A_317 = vector.load %arg3[%swap3A_314, %swap3A_315, %swap3A_316] : memref<32x32x1024xf32, #tpu.memory_space<vmem>>, vector<1x32x1024xf32>
    %swap3A_318 = vector.shape_cast %swap3A_317 : vector<1x32x1024xf32> to vector<32x1024xf32>
    %swap3A_319 = vector.shape_cast %mul3A_289 : vector<32x1024xf32> to vector<1x32x1024xf32>
    tpu.vector_store %arg3[%swap3A_314, %swap3A_315, %swap3A_316], %swap3A_319 {strides = array<i32>} : memref<32x32x1024xf32, #tpu.memory_space<vmem>>, vector<1x32x1024xf32>,
    %swap3A_320 = arith.constant 5 : index
    %swap3A_321 = arith.constant 0 : index
    %swap3A_322 = arith.constant 0 : index
    %swap3A_323 = vector.load %arg3[%swap3A_320, %swap3A_321, %swap3A_322] : memref<32x32x1024xf32, #tpu.memory_space<vmem>>, vector<1x32x1024xf32>
    %swap3A_324 = vector.shape_cast %swap3A_323 : vector<1x32x1024xf32> to vector<32x1024xf32>
    %swap3A_325 = vector.shape_cast %mul3A_289 : vector<32x1024xf32> to vector<1x32x1024xf32>
    tpu.vector_store %arg3[%swap3A_320, %swap3A_321, %swap3A_322], %swap3A_325 {strides = array<i32>} : memref<32x32x1024xf32, #tpu.memory_space<vmem>>, vector<1x32x1024xf32>,
    %swap3A_326 = arith.constant 6 : index
    %swap3A_327 = arith.constant 0 : index
    %swap3A_328 = arith.constant 0 : index
    %swap3A_329 = vector.load %arg3[%swap3A_326, %swap3A_327, %swap3A_328] : memref<32x32x1024xf32, #tpu.memory_space<vmem>>, vector<1x32x1024xf32>
    %swap3A_330 = vector.shape_cast %swap3A_329 : vector<1x32x1024xf32> to vector<32x1024xf32>
    %swap3A_331 = vector.shape_cast %mul3A_289 : vector<32x1024xf32> to vector<1x32x1024xf32>
    tpu.vector_store %arg3[%swap3A_326, %swap3A_327, %swap3A_328], %swap3A_331 {strides = array<i32>} : memref<32x32x1024xf32, #tpu.memory_space<vmem>>, vector<1x32x1024xf32>,
    %swap3A_332 = arith.constant 7 : index
    %swap3A_333 = arith.constant 0 : index
    %swap3A_334 = arith.constant 0 : index
    %swap3A_335 = vector.load %arg3[%swap3A_332, %swap3A_333, %swap3A_334] : memref<32x32x1024xf32, #tpu.memory_space<vmem>>, vector<1x32x1024xf32>
    %swap3A_336 = vector.shape_cast %swap3A_335 : vector<1x32x1024xf32> to vector<32x1024xf32>
    %swap3A_337 = vector.shape_cast %mul3A_289 : vector<32x1024xf32> to vector<1x32x1024xf32>
    tpu.vector_store %arg3[%swap3A_332, %swap3A_333, %swap3A_334], %swap3A_337 {strides = array<i32>} : memref<32x32x1024xf32, #tpu.memory_space<vmem>>, vector<1x32x1024xf32>,
    %swap3A_338 = arith.constant 8 : index
    %swap3A_339 = arith.constant 0 : index
    %swap3A_340 = arith.constant 0 : index
    %swap3A_341 = vector.load %arg3[%swap3A_338, %swap3A_339, %swap3A_340] : memref<32x32x1024xf32, #tpu.memory_space<vmem>>, vector<1x32x1024xf32>
    %swap3A_342 = vector.shape_cast %swap3A_341 : vector<1x32x1024xf32> to vector<32x1024xf32>
    %swap3A_343 = vector.shape_cast %mul3A_289 : vector<32x1024xf32> to vector<1x32x1024xf32>
    tpu.vector_store %arg3[%swap3A_338, %swap3A_339, %swap3A_340], %swap3A_343 {strides = array<i32>} : memref<32x32x1024xf32, #tpu.memory_space<vmem>>, vector<1x32x1024xf32>,
    %swap3A_344 = arith.constant 9 : index
    %swap3A_345 = arith.constant 0 : index
    %swap3A_346 = arith.constant 0 : index
    %swap3A_347 = vector.load %arg3[%swap3A_344, %swap3A_345, %swap3A_346] : memref<32x32x1024xf32, #tpu.memory_space<vmem>>, vector<1x32x1024xf32>
    %swap3A_348 = vector.shape_cast %swap3A_347 : vector<1x32x1024xf32> to vector<32x1024xf32>
    %swap3A_349 = vector.shape_cast %mul3A_289 : vector<32x1024xf32> to vector<1x32x1024xf32>
    tpu.vector_store %arg3[%swap3A_344, %swap3A_345, %swap3A_346], %swap3A_349 {strides = array<i32>} : memref<32x32x1024xf32, #tpu.memory_space<vmem>>, vector<1x32x1024xf32>,
    %swap3A_350 = arith.constant 10 : index
    %swap3A_351 = arith.constant 0 : index
    %swap3A_352 = arith.constant 0 : index
    %swap3A_353 = vector.load %arg3[%swap3A_350, %swap3A_351, %swap3A_352] : memref<32x32x1024xf32, #tpu.memory_space<vmem>>, vector<1x32x1024xf32>
    %swap3A_354 = vector.shape_cast %swap3A_353 : vector<1x32x1024xf32> to vector<32x1024xf32>
    %swap3A_355 = vector.shape_cast %mul3A_289 : vector<32x1024xf32> to vector<1x32x1024xf32>
    tpu.vector_store %arg3[%swap3A_350, %swap3A_351, %swap3A_352], %swap3A_355 {strides = array<i32>} : memref<32x32x1024xf32, #tpu.memory_space<vmem>>, vector<1x32x1024xf32>,
    %swap3A_356 = arith.constant 11 : index
    %swap3A_357 = arith.constant 0 : index
    %swap3A_358 = arith.constant 0 : index
    %swap3A_359 = vector.load %arg3[%swap3A_356, %swap3A_357, %swap3A_358] : memref<32x32x1024xf32, #tpu.memory_space<vmem>>, vector<1x32x1024xf32>
    %swap3A_360 = vector.shape_cast %swap3A_359 : vector<1x32x1024xf32> to vector<32x1024xf32>
    %swap3A_361 = vector.shape_cast %mul3A_289 : vector<32x1024xf32> to vector<1x32x1024xf32>
    tpu.vector_store %arg3[%swap3A_356, %swap3A_357, %swap3A_358], %swap3A_361 {strides = array<i32>} : memref<32x32x1024xf32, #tpu.memory_space<vmem>>, vector<1x32x1024xf32>,
    %swap3A_362 = arith.constant 12 : index
    %swap3A_363 = arith.constant 0 : index
    %swap3A_364 = arith.constant 0 : index
    %swap3A_365 = vector.load %arg3[%swap3A_362, %swap3A_363, %swap3A_364] : memref<32x32x1024xf32, #tpu.memory_space<vmem>>, vector<1x32x1024xf32>
    %swap3A_366 = vector.shape_cast %swap3A_365 : vector<1x32x1024xf32> to vector<32x1024xf32>
    %swap3A_367 = vector.shape_cast %mul3A_289 : vector<32x1024xf32> to vector<1x32x1024xf32>
    tpu.vector_store %arg3[%swap3A_362, %swap3A_363, %swap3A_364], %swap3A_367 {strides = array<i32>} : memref<32x32x1024xf32, #tpu.memory_space<vmem>>, vector<1x32x1024xf32>,
    %swap3A_368 = arith.constant 13 : index
    %swap3A_369 = arith.constant 0 : index
    %swap3A_370 = arith.constant 0 : index
    %swap3A_371 = vector.load %arg3[%swap3A_368, %swap3A_369, %swap3A_370] : memref<32x32x1024xf32, #tpu.memory_space<vmem>>, vector<1x32x1024xf32>
    %swap3A_372 = vector.shape_cast %swap3A_371 : vector<1x32x1024xf32> to vector<32x1024xf32>
    %swap3A_373 = vector.shape_cast %mul3A_289 : vector<32x1024xf32> to vector<1x32x1024xf32>
    tpu.vector_store %arg3[%swap3A_368, %swap3A_369, %swap3A_370], %swap3A_373 {strides = array<i32>} : memref<32x32x1024xf32, #tpu.memory_space<vmem>>, vector<1x32x1024xf32>,
    %swap3A_374 = arith.constant 14 : index
    %swap3A_375 = arith.constant 0 : index
    %swap3A_376 = arith.constant 0 : index
    %swap3A_377 = vector.load %arg3[%swap3A_374, %swap3A_375, %swap3A_376] : memref<32x32x1024xf32, #tpu.memory_space<vmem>>, vector<1x32x1024xf32>
    %swap3A_378 = vector.shape_cast %swap3A_377 : vector<1x32x1024xf32> to vector<32x1024xf32>
    %swap3A_379 = vector.shape_cast %mul3A_289 : vector<32x1024xf32> to vector<1x32x1024xf32>
    tpu.vector_store %arg3[%swap3A_374, %swap3A_375, %swap3A_376], %swap3A_379 {strides = array<i32>} : memref<32x32x1024xf32, #tpu.memory_space<vmem>>, vector<1x32x1024xf32>,
    %swap3A_380 = arith.constant 15 : index
    %swap3A_381 = arith.constant 0 : index
    %swap3A_382 = arith.constant 0 : index
    %swap3A_383 = vector.load %arg3[%swap3A_380, %swap3A_381, %swap3A_382] : memref<32x32x1024xf32, #tpu.memory_space<vmem>>, vector<1x32x1024xf32>
    %swap3A_384 = vector.shape_cast %swap3A_383 : vector<1x32x1024xf32> to vector<32x1024xf32>
    %swap3A_385 = vector.shape_cast %mul3A_289 : vector<32x1024xf32> to vector<1x32x1024xf32>
    tpu.vector_store %arg3[%swap3A_380, %swap3A_381, %swap3A_382], %swap3A_385 {strides = array<i32>} : memref<32x32x1024xf32, #tpu.memory_space<vmem>>, vector<1x32x1024xf32>,
    %swap3A_386 = arith.constant 16 : index
    %swap3A_387 = arith.constant 0 : index
    %swap3A_388 = arith.constant 0 : index
    %swap3A_389 = vector.load %arg3[%swap3A_386, %swap3A_387, %swap3A_388] : memref<32x32x1024xf32, #tpu.memory_space<vmem>>, vector<1x32x1024xf32>
    %swap3A_390 = vector.shape_cast %swap3A_389 : vector<1x32x1024xf32> to vector<32x1024xf32>
    %swap3A_391 = vector.shape_cast %mul3A_289 : vector<32x1024xf32> to vector<1x32x1024xf32>
    tpu.vector_store %arg3[%swap3A_386, %swap3A_387, %swap3A_388], %swap3A_391 {strides = array<i32>} : memref<32x32x1024xf32, #tpu.memory_space<vmem>>, vector<1x32x1024xf32>,
    %swap3A_392 = arith.constant 17 : index
    %swap3A_393 = arith.constant 0 : index
    %swap3A_394 = arith.constant 0 : index
    %swap3A_395 = vector.load %arg3[%swap3A_392, %swap3A_393, %swap3A_394] : memref<32x32x1024xf32, #tpu.memory_space<vmem>>, vector<1x32x1024xf32>
    %swap3A_396 = vector.shape_cast %swap3A_395 : vector<1x32x1024xf32> to vector<32x1024xf32>
    %swap3A_397 = vector.shape_cast %mul3A_289 : vector<32x1024xf32> to vector<1x32x1024xf32>
    tpu.vector_store %arg3[%swap3A_392, %swap3A_393, %swap3A_394], %swap3A_397 {strides = array<i32>} : memref<32x32x1024xf32, #tpu.memory_space<vmem>>, vector<1x32x1024xf32>,
    %swap3A_398 = arith.constant 18 : index
    %swap3A_399 = arith.constant 0 : index
    %swap3A_400 = arith.constant 0 : index
    %swap3A_401 = vector.load %arg3[%swap3A_398, %swap3A_399, %swap3A_400] : memref<32x32x1024xf32, #tpu.memory_space<vmem>>, vector<1x32x1024xf32>
    %swap3A_402 = vector.shape_cast %swap3A_401 : vector<1x32x1024xf32> to vector<32x1024xf32>
    %swap3A_403 = vector.shape_cast %mul3A_289 : vector<32x1024xf32> to vector<1x32x1024xf32>
    tpu.vector_store %arg3[%swap3A_398, %swap3A_399, %swap3A_400], %swap3A_403 {strides = array<i32>} : memref<32x32x1024xf32, #tpu.memory_space<vmem>>, vector<1x32x1024xf32>,
    %swap3A_404 = arith.constant 19 : index
    %swap3A_405 = arith.constant 0 : index
    %swap3A_406 = arith.constant 0 : index
    %swap3A_407 = vector.load %arg3[%swap3A_404, %swap3A_405, %swap3A_406] : memref<32x32x1024xf32, #tpu.memory_space<vmem>>, vector<1x32x1024xf32>
    %swap3A_408 = vector.shape_cast %swap3A_407 : vector<1x32x1024xf32> to vector<32x1024xf32>
    %swap3A_409 = vector.shape_cast %mul3A_289 : vector<32x1024xf32> to vector<1x32x1024xf32>
    tpu.vector_store %arg3[%swap3A_404, %swap3A_405, %swap3A_406], %swap3A_409 {strides = array<i32>} : memref<32x32x1024xf32, #tpu.memory_space<vmem>>, vector<1x32x1024xf32>,
    %swap3A_410 = arith.constant 20 : index
    %swap3A_411 = arith.constant 0 : index
    %swap3A_412 = arith.constant 0 : index
    %swap3A_413 = vector.load %arg3[%swap3A_410, %swap3A_411, %swap3A_412] : memref<32x32x1024xf32, #tpu.memory_space<vmem>>, vector<1x32x1024xf32>
    %swap3A_414 = vector.shape_cast %swap3A_413 : vector<1x32x1024xf32> to vector<32x1024xf32>
    %swap3A_415 = vector.shape_cast %mul3A_289 : vector<32x1024xf32> to vector<1x32x1024xf32>
    tpu.vector_store %arg3[%swap3A_410, %swap3A_411, %swap3A_412], %swap3A_415 {strides = array<i32>} : memref<32x32x1024xf32, #tpu.memory_space<vmem>>, vector<1x32x1024xf32>,
    %swap3A_416 = arith.constant 21 : index
    %swap3A_417 = arith.constant 0 : index
    %swap3A_418 = arith.constant 0 : index
    %swap3A_419 = vector.load %arg3[%swap3A_416, %swap3A_417, %swap3A_418] : memref<32x32x1024xf32, #tpu.memory_space<vmem>>, vector<1x32x1024xf32>
    %swap3A_420 = vector.shape_cast %swap3A_419 : vector<1x32x1024xf32> to vector<32x1024xf32>
    %swap3A_421 = vector.shape_cast %mul3A_289 : vector<32x1024xf32> to vector<1x32x1024xf32>
    tpu.vector_store %arg3[%swap3A_416, %swap3A_417, %swap3A_418], %swap3A_421 {strides = array<i32>} : memref<32x32x1024xf32, #tpu.memory_space<vmem>>, vector<1x32x1024xf32>,
    %swap3A_422 = arith.constant 22 : index
    %swap3A_423 = arith.constant 0 : index
    %swap3A_424 = arith.constant 0 : index
    %swap3A_425 = vector.load %arg3[%swap3A_422, %swap3A_423, %swap3A_424] : memref<32x32x1024xf32, #tpu.memory_space<vmem>>, vector<1x32x1024xf32>
    %swap3A_426 = vector.shape_cast %swap3A_425 : vector<1x32x1024xf32> to vector<32x1024xf32>
    %swap3A_427 = vector.shape_cast %mul3A_289 : vector<32x1024xf32> to vector<1x32x1024xf32>
    tpu.vector_store %arg3[%swap3A_422, %swap3A_423, %swap3A_424], %swap3A_427 {strides = array<i32>} : memref<32x32x1024xf32, #tpu.memory_space<vmem>>, vector<1x32x1024xf32>,
    %swap3A_428 = arith.constant 23 : index
    %swap3A_429 = arith.constant 0 : index
    %swap3A_430 = arith.constant 0 : index
    %swap3A_431 = vector.load %arg3[%swap3A_428, %swap3A_429, %swap3A_430] : memref<32x32x1024xf32, #tpu.memory_space<vmem>>, vector<1x32x1024xf32>
    %swap3A_432 = vector.shape_cast %swap3A_431 : vector<1x32x1024xf32> to vector<32x1024xf32>
    %swap3A_433 = vector.shape_cast %mul3A_289 : vector<32x1024xf32> to vector<1x32x1024xf32>
    tpu.vector_store %arg3[%swap3A_428, %swap3A_429, %swap3A_430], %swap3A_433 {strides = array<i32>} : memref<32x32x1024xf32, #tpu.memory_space<vmem>>, vector<1x32x1024xf32>,
    %swap3A_434 = arith.constant 24 : index
    %swap3A_435 = arith.constant 0 : index
    %swap3A_436 = arith.constant 0 : index
    %swap3A_437 = vector.load %arg3[%swap3A_434, %swap3A_435, %swap3A_436] : memref<32x32x1024xf32, #tpu.memory_space<vmem>>, vector<1x32x1024xf32>
    %swap3A_438 = vector.shape_cast %swap3A_437 : vector<1x32x1024xf32> to vector<32x1024xf32>
    %swap3A_439 = vector.shape_cast %mul3A_289 : vector<32x1024xf32> to vector<1x32x1024xf32>
    tpu.vector_store %arg3[%swap3A_434, %swap3A_435, %swap3A_436], %swap3A_439 {strides = array<i32>} : memref<32x32x1024xf32, #tpu.memory_space<vmem>>, vector<1x32x1024xf32>,
    %swap3A_440 = arith.constant 25 : index
    %swap3A_441 = arith.constant 0 : index
    %swap3A_442 = arith.constant 0 : index
    %swap3A_443 = vector.load %arg3[%swap3A_440, %swap3A_441, %swap3A_442] : memref<32x32x1024xf32, #tpu.memory_space<vmem>>, vector<1x32x1024xf32>
    %swap3A_444 = vector.shape_cast %swap3A_443 : vector<1x32x1024xf32> to vector<32x1024xf32>
    %swap3A_445 = vector.shape_cast %mul3A_289 : vector<32x1024xf32> to vector<1x32x1024xf32>
    tpu.vector_store %arg3[%swap3A_440, %swap3A_441, %swap3A_442], %swap3A_445 {strides = array<i32>} : memref<32x32x1024xf32, #tpu.memory_space<vmem>>, vector<1x32x1024xf32>,
    %swap3A_446 = arith.constant 26 : index
    %swap3A_447 = arith.constant 0 : index
    %swap3A_448 = arith.constant 0 : index
    %swap3A_449 = vector.load %arg3[%swap3A_446, %swap3A_447, %swap3A_448] : memref<32x32x1024xf32, #tpu.memory_space<vmem>>, vector<1x32x1024xf32>
    %swap3A_450 = vector.shape_cast %swap3A_449 : vector<1x32x1024xf32> to vector<32x1024xf32>
    %swap3A_451 = vector.shape_cast %mul3A_289 : vector<32x1024xf32> to vector<1x32x1024xf32>
    tpu.vector_store %arg3[%swap3A_446, %swap3A_447, %swap3A_448], %swap3A_451 {strides = array<i32>} : memref<32x32x1024xf32, #tpu.memory_space<vmem>>, vector<1x32x1024xf32>,
    %swap3A_452 = arith.constant 27 : index
    %swap3A_453 = arith.constant 0 : index
    %swap3A_454 = arith.constant 0 : index
    %swap3A_455 = vector.load %arg3[%swap3A_452, %swap3A_453, %swap3A_454] : memref<32x32x1024xf32, #tpu.memory_space<vmem>>, vector<1x32x1024xf32>
    %swap3A_456 = vector.shape_cast %swap3A_455 : vector<1x32x1024xf32> to vector<32x1024xf32>
    %swap3A_457 = vector.shape_cast %mul3A_289 : vector<32x1024xf32> to vector<1x32x1024xf32>
    tpu.vector_store %arg3[%swap3A_452, %swap3A_453, %swap3A_454], %swap3A_457 {strides = array<i32>} : memref<32x32x1024xf32, #tpu.memory_space<vmem>>, vector<1x32x1024xf32>,
    %swap3A_458 = arith.constant 28 : index
    %swap3A_459 = arith.constant 0 : index
    %swap3A_460 = arith.constant 0 : index
    %swap3A_461 = vector.load %arg3[%swap3A_458, %swap3A_459, %swap3A_460] : memref<32x32x1024xf32, #tpu.memory_space<vmem>>, vector<1x32x1024xf32>
    %swap3A_462 = vector.shape_cast %swap3A_461 : vector<1x32x1024xf32> to vector<32x1024xf32>
    %swap3A_463 = vector.shape_cast %mul3A_289 : vector<32x1024xf32> to vector<1x32x1024xf32>
    tpu.vector_store %arg3[%swap3A_458, %swap3A_459, %swap3A_460], %swap3A_463 {strides = array<i32>} : memref<32x32x1024xf32, #tpu.memory_space<vmem>>, vector<1x32x1024xf32>,
    %swap3A_464 = arith.constant 29 : index
    %swap3A_465 = arith.constant 0 : index
    %swap3A_466 = arith.constant 0 : index
    %swap3A_467 = vector.load %arg3[%swap3A_464, %swap3A_465, %swap3A_466] : memref<32x32x1024xf32, #tpu.memory_space<vmem>>, vector<1x32x1024xf32>
    %swap3A_468 = vector.shape_cast %swap3A_467 : vector<1x32x1024xf32> to vector<32x1024xf32>
    %swap3A_469 = vector.shape_cast %mul3A_289 : vector<32x1024xf32> to vector<1x32x1024xf32>
    tpu.vector_store %arg3[%swap3A_464, %swap3A_465, %swap3A_466], %swap3A_469 {strides = array<i32>} : memref<32x32x1024xf32, #tpu.memory_space<vmem>>, vector<1x32x1024xf32>,
    %swap3A_470 = arith.constant 30 : index
    %swap3A_471 = arith.constant 0 : index
    %swap3A_472 = arith.constant 0 : index
    %swap3A_473 = vector.load %arg3[%swap3A_470, %swap3A_471, %swap3A_472] : memref<32x32x1024xf32, #tpu.memory_space<vmem>>, vector<1x32x1024xf32>
    %swap3A_474 = vector.shape_cast %swap3A_473 : vector<1x32x1024xf32> to vector<32x1024xf32>
    %swap3A_475 = vector.shape_cast %mul3A_289 : vector<32x1024xf32> to vector<1x32x1024xf32>
    tpu.vector_store %arg3[%swap3A_470, %swap3A_471, %swap3A_472], %swap3A_475 {strides = array<i32>} : memref<32x32x1024xf32, #tpu.memory_space<vmem>>, vector<1x32x1024xf32>,
    %swap3A_476 = arith.constant 31 : index
    %swap3A_477 = arith.constant 0 : index
    %swap3A_478 = arith.constant 0 : index
    %swap3A_479 = vector.load %arg3[%swap3A_476, %swap3A_477, %swap3A_478] : memref<32x32x1024xf32, #tpu.memory_space<vmem>>, vector<1x32x1024xf32>
    %swap3A_480 = vector.shape_cast %swap3A_479 : vector<1x32x1024xf32> to vector<32x1024xf32>
    %swap3A_481 = vector.shape_cast %mul3A_289 : vector<32x1024xf32> to vector<1x32x1024xf32>
    tpu.vector_store %arg3[%swap3A_476, %swap3A_477, %swap3A_478], %swap3A_481 {strides = array<i32>} : memref<32x32x1024xf32, #tpu.memory_space<vmem>>, vector<1x32x1024xf32>,
    return
  }
}

</mosaic_0001>

<sc_bundles>
// kernel: kernel.4.cloned.1.call-start
scs
__scs_entry_jumppad:
0x0: {  	(pc) =	sbr.rel $0x88, $3  }
0x1: {  	(tag) =	ssettag $0x0;
	lr =	simm.s32 $0x1  }
0x2: {  	[smem:$0x3F9F] =	sst lr;
	_ =	strace $0xD0000000  }
0x3: {  	_ = 	snop  }
0x4: {  	_ = 	snop  }
0x5: {  	_ = 	snop  }
0x6: {  	_ = 	snop  }
0x7: {  	_ = 	snop  }
__scs_overlays_trampoline_lowered:
0x8: {  	[smem:$0x3FAE] =	sst s0  }
0x9: {  	[smem:$0x3FAF] =	sst s1  }
0xa: {  	[smem:$0x3FB0] =	sst s2  }
0xb: {  	[smem:$0x3FB1] =	sst s3  }
0xc: {  	[smem:$0x3FB2] =	sst s4  }
0xd: {  	[smem:$0x3FB3] =	sst s5  }
0xe: {  	[smem:$0x3FB4] =	sst s6  }
0xf: {  	[smem:$0x3FB5] =	sst s7  }
0x10: {  	[smem:$0x3FB6] =	sst s8  }
0x11: {  	[smem:$0x3FB7] =	sst s9;
	s0 =	simm.s32 @!p0 $0x0  }
0x12: {  	s1 =	sld [smem:$0x3F9D];
	s0 =	simm.s32 @p0 $0x1  }
0x13: {  	[smem:$0x3FB8] =	sst s0;
	s0 =	simm.s32 @!p1 $0x0  }
0x14: {  	s2 =	sld [smem:$0x3F9C];
	s0 =	simm.s32 @p1 $0x1  }
0x15: {  	[smem:$0x3FB9] =	sst s0;
	s0 =	simm.s32 @!p2 $0x0  }
0x16: {  	s3 =	sld [smem:$0x3FDB];
	s0 =	simm.s32 @p2 $0x1  }
0x17: {  	s4 =	simm.s32 $0x1BF5;
	[smem:$0x3FBB] =	sst s0  }
0x18: {  	s0 =	sld [smem:$0x3F9E];
	_ =	swait.ge [sflag:s4], $0x0  }
0x19: {  	s7 =	sld [smem:$0x3F9F]  }
0x1a: {  	s8 =	sadd.s32 $0xFFFFE003, lr  }
0x1b: {  	s9 =	sadd.s32 $0xFFFFFEF7, lr;
	s5 =	simm.s32 $0xFFFFFFFF;
	p2 =	slt.u32 s8, $0xFFFFF086  }
0x1c: {  	p1 =	slt.u32 s9, $0xF7A;
	s5 =	simm.s32 @!p2 $0x0  }
0x1d: {  	s5 =	simm.s32 @p1 $0x1;
	p0 =	seq.s32 s7, s2  }
0x1e: {  	s7 =	smul.u32 @!p0 $0xF7A, s2;
	p2 =	seq.s32 @!p0 s5, $0x0  }
0x1f: {  	s9 =	smul.u32 $0xF7A, s1;
	s8 =	simm.s32 @!p0 $0x1BF5;
	p2 =	por !p2, p0  }
0x20: {  	[sflag:s8] =	ssyncset.s32 @!p0 $0xFFFFF086;
	s6 =	sadd.s32 @!p0 s3, s7;
	s7 =	simm.s32 @!p0 $0x108  }
0x21: {  	s3 =	sadd.s32 s3, s9;
	s6 =	sadd.s32 @!p0 $0x88, s6;
	s7 =	simm.s32 @p2 $0x1082  }
0x22: {  	[simem:s7], [sflag:s8] =	dma.local @!p0 [hbm:s6], $0xF7A  }
0x23: {  	s9 =	sor.u32 $0xD0000000, s2;
	s6 =	simm.s32 $0x108;
	_ =	swait.ge @!p0 [sflag:s8], $0x0  }
0x24: {  	s3 =	sadd.s32 $0x88, s3;
	s6 =	simm.s32 @!p1 $0x1082;
	[sflag:s4] =	ssyncset.s32 $0xFFFFF086  }
0x25: {  	[simem:s6], [sflag:s4] =	dma.local [hbm:s3], $0xF7A  }
0x26: {  	[smem:$0x3F9F] =	sst s1;
	(tag) =	ssettag s2;
	_ =	strace s9  }
0x27: {  	s1 =	sld [smem:$0x3FAF]  }
0x28: {  	s2 =	sld [smem:$0x3FB0]  }
0x29: {  	s4 =	sld [smem:$0x3FB2]  }
0x2a: {  	p0 =	seq.s32 s5, $0x0;
	s5 =	sld [smem:$0x3FB3]  }
0x2b: {  	s6 =	sld [smem:$0x3FB4]  }
0x2c: {  	s7 =	sld [smem:$0x3FB5]  }
0x2d: {  	s3 =	simm.s32 $0x108;
	s8 =	sld [smem:$0x3FB6]  }
0x2e: {  	s3 =	simm.s32 @!p0 $0x1082;
	s9 =	sld [smem:$0x3FB7]  }
0x2f: {  	lr =	sadd.s32 s0, s3;
	s0 =	sld [smem:$0x3FAE]  }
0x30: {  	s3 =	sld [smem:$0x3FB1]  }
0x31: {  	[smem:$0x3FBA] =	sst s10  }
0x32: {  	s10 =	sld [smem:$0x3FB8];
	_ =	sdelay $0x3  }
0x33: {  	p0 =	seq.s32 s10, $0x1;
	s10 =	sld [smem:$0x3FBA];
	_ =	sdelay $0x3  }
0x34: {  	[smem:$0x3FBA] =	sst s10  }
0x35: {  	s10 =	sld [smem:$0x3FB9];
	_ =	sdelay $0x3  }
0x36: {  	p1 =	seq.s32 s10, $0x1;
	s10 =	sld [smem:$0x3FBA];
	_ =	sdelay $0x3  }
0x37: {  	[smem:$0x3FBA] =	sst s10  }
0x38: {  	s10 =	sld [smem:$0x3FBB]  }
0x39: {  	_ = 	snop;
	(pc) =	sbr.ind lr, $3  }
0x3a: {  	_ = 	snop  }
0x3b: {  	_ = 	snop  }
0x3c: {  	p2 =	seq.s32 s10, $0x1;
	s10 =	sld [smem:$0x3FBA]  }
0x3d: {  	_ =	shalt  }
0x3e: {  	_ =	shalt  }
0x3f: {  	_ =	shalt  }
0x40: {  	_ =	shalt  }
0x41: {  	_ =	shalt  }
0x42: {  	_ =	shalt  }
0x43: {  	_ =	shalt  }
0x44: {  	_ =	shalt  }
0x45: {  	_ =	shalt  }
0x46: {  	_ =	shalt  }
0x47: {  	_ =	shalt  }
0x48: {  	_ =	shalt  }
0x49: {  	_ =	shalt  }
0x4a: {  	_ =	shalt  }
0x4b: {  	_ =	shalt  }
0x4c: {  	_ =	shalt  }
0x4d: {  	_ =	shalt  }
0x4e: {  	_ =	shalt  }
0x4f: {  	_ =	shalt  }
0x50: {  	_ =	shalt  }
0x51: {  	_ =	shalt  }
0x52: {  	_ =	shalt  }
0x53: {  	_ =	shalt  }
0x54: {  	_ =	shalt  }
0x55: {  	_ =	shalt  }
0x56: {  	_ =	shalt  }
0x57: {  	_ =	shalt  }
0x58: {  	_ =	shalt  }
0x59: {  	_ =	shalt  }
0x5a: {  	_ =	shalt  }
0x5b: {  	_ =	shalt  }
0x5c: {  	_ =	shalt  }
0x5d: {  	_ =	shalt  }
0x5e: {  	_ =	shalt  }
0x5f: {  	_ =	shalt  }
0x60: {  	_ =	shalt  }
0x61: {  	_ =	shalt  }
0x62: {  	_ =	shalt  }
0x63: {  	_ =	shalt  }
0x64: {  	_ =	shalt  }
0x65: {  	_ =	shalt  }
0x66: {  	_ =	shalt  }
0x67: {  	_ =	shalt  }
0x68: {  	_ =	shalt  }
0x69: {  	_ =	shalt  }
0x6a: {  	_ =	shalt  }
0x6b: {  	_ =	shalt  }
0x6c: {  	_ =	shalt  }
0x6d: {  	_ =	shalt  }
0x6e: {  	_ =	shalt  }
0x6f: {  	_ =	shalt  }
0x70: {  	_ =	shalt  }
0x71: {  	_ =	shalt  }
0x72: {  	_ =	shalt  }
0x73: {  	_ =	shalt  }
0x74: {  	_ =	shalt  }
0x75: {  	_ =	shalt  }
0x76: {  	_ =	shalt  }
0x77: {  	_ =	shalt  }
0x78: {  	_ =	shalt  }
0x79: {  	_ =	shalt  }
0x7a: {  	_ =	shalt  }
0x7b: {  	_ =	shalt  }
0x7c: {  	_ =	shalt  }
0x7d: {  	_ =	shalt  }
0x7e: {  	_ =	shalt  }
0x7f: {  	_ =	shalt  }
0x80: {  	_ =	shalt  }
0x81: {  	_ =	shalt  }
0x82: {  	_ =	shalt  }
0x83: {  	_ =	shalt  }
0x84: {  	_ =	shalt  }
0x85: {  	_ =	shalt  }
0x86: {  	_ =	shalt  }
0x87: {  	_ =	shalt  }
.Lfunc_end0:
.L_simem_size_0:
called_computation_lowered:
.L_overlay_start_0:
0x88: {  	s2 =	sld [smem:$0x3FD9]  }
0x89: {  	s3 =	sld [smem:$0x3FFE];
	_ =	sdelay $0x1  }
0x8a: {  	s1 =	srdreg.scid  }
0x8b: {  	s0 =	sand.u32 $0x1, s1  }
0x8c: {  	s17 =	sshll.u32 s0, $0xA;
	s2 =	sadd.s32 s3, s2  }
0x8d: {  	s2 =	sadd.s32 s2, s17  }
0x8e: {  	[smem:$0x3FC6] =	sst s2  }
0x8f: {  	_ = 	snop  }
0x90: {  	s2 =	sld [smem:$0x3FD0];
	(tm) =	ssettm $0x1  }
0x91: {  	s18 =	sld [smem:$0x3FFB];
	_ =	sdelay $0x3  }
0x92: {  	_ =	strace s18  }
0x93: {  	s3 =	sld [smem:$0x3FFC];
	_ =	sdelay $0x3  }
0x94: {  	_ =	strace s3  }
0x95: {  	s3 =	sld [smem:$0x3FFD];
	_ =	sdelay $0x3  }
0x96: {  	_ =	strace s3  }
0x97: {  	_ =	strace $0x8FFFFFFF  }
0x98: {  	s19 =	sld [smem:$0x3FDB];
	_ =	sdelay $0x1  }
0x99: {  	s4 =	simm.s32 $_scs_section_size  }
0x9a: {  	s5 =	simm.s32 $_size__tile_overlayer_lowered;
	s6 =	simm.s32 $_tile_overlayer_lowered  }
0x9b: {  	s22 =	simm.s32 $0x1BFF;
	s21 =	sshll.u32 s6, $0x1;
	s3 =	sadd.s32 s4, s19  }
0x9c: {  	s7 =	simm.s32 $0x0;
	s20 =	sshll.u32 s5, $0x1;
	s5 =	sadd.s32 s21, s3  }
0x9d: {  	[timem:s7], [sflag:s22] =	dma.local [hbm:s5], s20  }
0x9e: {  	_ =	swait.ge [sflag:s22], s20  }
0x9f: {  	s4 =	ssub.s32 $0x0, s20;
	[sflag:s22] =	ssyncset.done $0x0  }
0xa0: {  	[sflag:s22] =	ssyncadd.s32 s4;
	_ =	sdelay $0x1  }
0xa1: {  	s23 =	simm.s32 $0x1B8B  }
0xa2: {  	_ =	swait.ge [sflag:s23], $0x1  }
0xa3: {  	[sflag:s23] =	ssyncset.done $0x0  }
0xa4: {  	s25 =	simm.s32 $0x1B8E;
	s24 =	sld [smem:$0x3FFE];
	[sflag:s23] =	ssyncadd.s32 $0xFFFFFFFF  }
0xa5: {  	s26 =	simm.s32 $execute0_lowered;
	[smem:$0x3FD2] =	sst s25  }
0xa6: {  	s5 =	sshll.u32 s26, $0x1;
	_ =	strace $0x80000046;
	[dreg:$0x1] =	wrdreg $0xFFFFFFFF  }
0xa7: {  	s28 =	simm.s32 $_size_execute0_lowered;
	s3 =	sadd.s32 s3, s5;
	[dreg:$0x0] =	wrdreg $0x0  }
0xa8: {  	s5 =	sshll.u32 s28, $0x1;
	[dreg:$0x2] =	wrdreg s3  }
0xa9: {  	[dreg:$0x3] =	wrdreg s5  }
0xaa: {  	[dreg:$0x4] =	wrdreg $0xC0  }
0xab: {  	_ =	task [dreg:s7], $0x5FFFF  }
0xac: {  	[dreg:$0x1] =	wrdreg $0xFFFFFFFF  }
0xad: {  	[dreg:$0x0] =	wrdreg $0x60  }
0xae: {  	[dreg:$0x2] =	wrdreg s24  }
0xaf: {  	[dreg:$0x3] =	wrdreg s2  }
0xb0: {  	[dreg:$0x4] =	wrdreg $0x9  }
0xb1: {  	_ =	task.clear_ibuf [dreg:s7], $0x5FFFF;
	_ =	strace $0x90000046  }
0xb2: {  	s29 =	simm.s32 $0x9;
	_ =	strace $0x80000048  }
0xb3: {  	_ =	swait.ge [sflag:s29], $0x1  }
0xb4: {  	[sflag:s29] =	ssyncadd.s32 $0xFFFFFFFF  }
0xb5: {  	_ =	strace $0x90000048  }
0xb6: {  	_ =	sfence  }
0xb7: {  	s30 =	sld [smem:$0x0];
	_ =	sdelay $0x2  }
0xb8: {  	s31 =	sshll.u32 s1, $0xD;
	s1 =	sshrl.u32 s1, $0x2  }
0xb9: {  	s3 =	sand.u32 $0x4000, s31;
	s1 =	sadd.s32 s1, s30  }
0xba: {  	s0 =	sor.u32 s3, s0;
	s1 =	sshll.u32 s1, $0x11  }
0xbb: {  	s0 =	sor.u32 s1, s0  }
0xbc: {  	s0 =	sadd.s32 $0x8F2B, s0  }
0xbd: {  	[sflag:s0] =	ssyncadd.remote.s32 $0x1  }
0xbe: {  	_ =	sfence.sel $0xFFFF  }
0xbf: {  	[dreg:$0x0] =	wrdreg $0xFFFFFFFF;
	(pc) =	sbr.abs _section_cstart, $3  }
0xc0: {  	[dreg:$0x1] =	wrdreg $0xFFFFFFFF  }
0xc1: {  	_ =	task.clear_ibuf [dreg:s7], $0x2FFFF;
	_ =	strace $0x9FFFFFFF  }
0xc2: {  	(tm) =	ssettm $0x7FFFFFFF  }
0xc3: {  	_ =	shalt  }
tec
execute0_lowered:
.L_overlay_start_1:
0x0: {  	(tag) =	ssettag $0x1  }
0x1: {  	s3 =	rddreg [dreg:$0x0]  }
0x2: {  	s4 =	rddreg [dreg:$0x1]  }
0x3: {  	s0 =	rddreg [dreg:$0x2]  }
0x4: {  	s5 =	srdreg.scid;
	s1 =	stileid.u32;
	s2 =	simm.s32 $0x0  }
0x5: {  	s5 =	sand.u32 $0x1, s5;
	s6 =	sshll.u32 s1, $0x1;
	[smem:$0x7FF] =	sst s2  }
0x6: {  	s9 =	sshll.u32 s1, $0x12;
	s6 =	sor.u32 s5, s6;
	_ =	strace $0x80000047  }
0x7: {  	s8 =	ssub.s32 $0x2, s5;
	s9 =	sadd.s32 s9, s4;
	s5 =	sshll.u32 s5, $0x11  }
0x8: {  	s7 =	sshll.u32 s6, $0x7;
	s6 =	sshll.u32 s6, $0xC;
	s30 =	sshrl.u32 s8, $0x1  }
0x9: {  	s31 =	sadd.s32 s5, s9;
	s9 =	simm.s32 $0x0;
	s7 =	sadd.s32 s7, s3  }
0xa: {  	s6 =	sadd.s32 s6, s3;
	s8 =	ssub.s32 s8, s30;
	[dreg:$0x3] =	wrdreg s31  }
0xb: {  	s3 =	sadd.s32 $0x20C00, s7;
	s4 =	sadd.s32 $0xC00, s6;
	s5 =	smax.u32 s8, $0x1  }
0xc: {  	s6 =	simm.s32 $0x8000;
	s7 =	simm.s32 $0x1;
	s8 =	simm.s32 $0x2  }
.LBB2_1:
0xd: {  	[tilespmem:s6], [sflag:$0x1] =	stream.linear.gather [hbm4b:s3+s2], $0x400, $0x38;
	[tilespmem:$0x8480] =	vst v63  }
0xe: {  	_ = 	snop  }
0xf: {  	[tilespmem:s2], [sflag:$0x1] =	stream.linear.gather [hbm4b:s4+s2], $0x8000, $0x38;
	[tilespmem:$0x8480] =	vst v63  }
0x10: {  	_ =	swait.ge [sflag:s7], $0x400  }
0x11: {  	[sflag:s7] =	ssyncset.done $0x0  }
0x12: {  	[sflag:s7] =	ssyncadd.s32 $0xFFFFFC00  }
0x13: {  	_ =	swait.ge [sflag:s7], $0x8000  }
0x14: {  	[sflag:s7] =	ssyncset.done $0x0  }
0x15: {  	s10 =	simm.s32 $0x8004;
	[sflag:s7] =	ssyncadd.s32 $0xFFFF8000  }
0x16: {  	v0 =	vld [tilespmem:s10+$0xFFFFFFFC];
	_ =	sdelay $0x4  }
0x17: {  	(v2sf) =	vpush v0, $0x0;
	_ =	sdelay $0xe  }
0x18: {  	s12 =	spop (v2sf)  }
0x19: {  	s13 =	sshll.u32 s12, $0xA;
	s12 =	sshll.u32 s12, $0x7  }
0x1a: {  	s11 =	rddreg [dreg:$0x3];
	s13 =	sand.u32 $0xFFFFE000, s13;
	s12 =	sand.u32 $0x380, s12  }
0x1b: {  	s11 =	sadd.s32 $0x0, s11;
	s12 =	sor.u32 s12, s13  }
0x1c: {  	[hbm4b:s11+s2] =	stream.linear.scatter [tilespmem:s12], [sflag:$0x2], $0x80, $0x38;
	[tilespmem:$0x8480] =	vst v63  }
0x1d: {  	s14 =	sadd.s32 $0x80, s11;
	s13 =	sor.u32 $0x400, s12  }
0x1e: {  	[hbm4b:s14+s2] =	stream.linear.scatter [tilespmem:s13], [sflag:$0x2], $0x80, $0x38;
	[tilespmem:$0x8480] =	vst v63  }
0x1f: {  	s22 =	sadd.s32 $0x100, s11;
	s21 =	sor.u32 $0x800, s12  }
0x20: {  	[hbm4b:s22+s2] =	stream.linear.scatter [tilespmem:s21], [sflag:$0x2], $0x80, $0x38;
	[tilespmem:$0x8480] =	vst v63  }
0x21: {  	s24 =	sadd.s32 $0x180, s11;
	s23 =	sor.u32 $0xC00, s12  }
0x22: {  	[hbm4b:s24+s2] =	stream.linear.scatter [tilespmem:s23], [sflag:$0x2], $0x80, $0x38;
	[tilespmem:$0x8480] =	vst v63  }
0x23: {  	s26 =	sadd.s32 $0x200, s11;
	s25 =	sor.u32 $0x1000, s12  }
0x24: {  	[hbm4b:s26+s2] =	stream.linear.scatter [tilespmem:s25], [sflag:$0x2], $0x80, $0x38;
	[tilespmem:$0x8480] =	vst v63  }
0x25: {  	s29 =	sadd.s32 $0x280, s11;
	s28 =	sor.u32 $0x1400, s12  }
0x26: {  	[hbm4b:s29+s2] =	stream.linear.scatter [tilespmem:s28], [sflag:$0x2], $0x80, $0x38;
	[tilespmem:$0x8480] =	vst v63  }
0x27: {  	s31 =	sadd.s32 $0x300, s11;
	s30 =	sor.u32 $0x1800, s12  }
0x28: {  	[hbm4b:s31+s2] =	stream.linear.scatter [tilespmem:s30], [sflag:$0x2], $0x80, $0x38;
	[tilespmem:$0x8480] =	vst v63  }
0x29: {  	s15 =	sadd.s32 $0x380, s11;
	s12 =	sor.u32 $0x1C00, s12  }
0x2a: {  	[hbm4b:s15+s2] =	stream.linear.scatter [tilespmem:s12], [sflag:$0x2], $0x80, $0x38;
	[tilespmem:$0x8480] =	vst v63  }
0x2b: {  	v57 =	vld [tilespmem:s10+$0xFFFFFFFD];
	_ =	sdelay $0x4  }
0x2c: {  	(v2sf) =	vpush v57, $0x0;
	_ =	sdelay $0xe  }
0x2d: {  	s16 =	spop (v2sf)  }
0x2e: {  	s17 =	sshll.u32 s16, $0xA;
	s12 =	sshll.u32 s16, $0x7  }
0x2f: {  	s13 =	sand.u32 $0xFFFFE000, s17;
	s12 =	sand.u32 $0x380, s12  }
0x30: {  	s18 =	sadd.s32 $0x10, s11;
	s12 =	sor.u32 s12, s13  }
0x31: {  	[hbm4b:s18+s2] =	stream.linear.scatter [tilespmem:s12], [sflag:$0x2], $0x80, $0x38;
	[tilespmem:$0x8480] =	vst v63  }
0x32: {  	s20 =	sadd.s32 $0x90, s11;
	s19 =	sor.u32 $0x400, s12  }
0x33: {  	[hbm4b:s20+s2] =	stream.linear.scatter [tilespmem:s19], [sflag:$0x2], $0x80, $0x38;
	[tilespmem:$0x8480] =	vst v63  }
0x34: {  	s22 =	sadd.s32 $0x110, s11;
	s21 =	sor.u32 $0x800, s12  }
0x35: {  	[hbm4b:s22+s2] =	stream.linear.scatter [tilespmem:s21], [sflag:$0x2], $0x80, $0x38;
	[tilespmem:$0x8480] =	vst v63  }
0x36: {  	s24 =	sadd.s32 $0x190, s11;
	s23 =	sor.u32 $0xC00, s12  }
0x37: {  	[hbm4b:s24+s2] =	stream.linear.scatter [tilespmem:s23], [sflag:$0x2], $0x80, $0x38;
	[tilespmem:$0x8480] =	vst v63  }
0x38: {  	s26 =	sadd.s32 $0x210, s11;
	s25 =	sor.u32 $0x1000, s12  }
0x39: {  	[hbm4b:s26+s2] =	stream.linear.scatter [tilespmem:s25], [sflag:$0x2], $0x80, $0x38;
	[tilespmem:$0x8480] =	vst v63  }
0x3a: {  	s29 =	sadd.s32 $0x290, s11;
	s28 =	sor.u32 $0x1400, s12  }
0x3b: {  	[hbm4b:s29+s2] =	stream.linear.scatter [tilespmem:s28], [sflag:$0x2], $0x80, $0x38;
	[tilespmem:$0x8480] =	vst v63  }
0x3c: {  	s31 =	sadd.s32 $0x310, s11;
	s30 =	sor.u32 $0x1800, s12  }
0x3d: {  	[hbm4b:s31+s2] =	stream.linear.scatter [tilespmem:s30], [sflag:$0x2], $0x80, $0x38;
	[tilespmem:$0x8480] =	vst v63  }
0x3e: {  	s15 =	sadd.s32 $0x390, s11;
	s12 =	sor.u32 $0x1C00, s12  }
0x3f: {  	[hbm4b:s15+s2] =	stream.linear.scatter [tilespmem:s12], [sflag:$0x2], $0x80, $0x38;
	[tilespmem:$0x8480] =	vst v63  }
0x40: {  	v58 =	vld [tilespmem:s10+$0xFFFFFFFE];
	_ =	sdelay $0x4  }
0x41: {  	(v2sf) =	vpush v58, $0x0;
	_ =	sdelay $0xe  }
0x42: {  	s16 =	spop (v2sf)  }
0x43: {  	s17 =	sshll.u32 s16, $0xA;
	s12 =	sshll.u32 s16, $0x7  }
0x44: {  	s13 =	sand.u32 $0xFFFFE000, s17;
	s12 =	sand.u32 $0x380, s12  }
0x45: {  	s18 =	sadd.s32 $0x20, s11;
	s12 =	sor.u32 s12, s13  }
0x46: {  	[hbm4b:s18+s2] =	stream.linear.scatter [tilespmem:s12], [sflag:$0x2], $0x80, $0x38;
	[tilespmem:$0x8480] =	vst v63  }
0x47: {  	s20 =	sadd.s32 $0xA0, s11;
	s19 =	sor.u32 $0x400, s12  }
0x48: {  	[hbm4b:s20+s2] =	stream.linear.scatter [tilespmem:s19], [sflag:$0x2], $0x80, $0x38;
	[tilespmem:$0x8480] =	vst v63  }
0x49: {  	s22 =	sadd.s32 $0x120, s11;
	s21 =	sor.u32 $0x800, s12  }
0x4a: {  	[hbm4b:s22+s2] =	stream.linear.scatter [tilespmem:s21], [sflag:$0x2], $0x80, $0x38;
	[tilespmem:$0x8480] =	vst v63  }
0x4b: {  	s24 =	sadd.s32 $0x1A0, s11;
	s23 =	sor.u32 $0xC00, s12  }
0x4c: {  	[hbm4b:s24+s2] =	stream.linear.scatter [tilespmem:s23], [sflag:$0x2], $0x80, $0x38;
	[tilespmem:$0x8480] =	vst v63  }
0x4d: {  	s26 =	sadd.s32 $0x220, s11;
	s25 =	sor.u32 $0x1000, s12  }
0x4e: {  	[hbm4b:s26+s2] =	stream.linear.scatter [tilespmem:s25], [sflag:$0x2], $0x80, $0x38;
	[tilespmem:$0x8480] =	vst v63  }
0x4f: {  	s29 =	sadd.s32 $0x2A0, s11;
	s28 =	sor.u32 $0x1400, s12  }
0x50: {  	[hbm4b:s29+s2] =	stream.linear.scatter [tilespmem:s28], [sflag:$0x2], $0x80, $0x38;
	[tilespmem:$0x8480] =	vst v63  }
0x51: {  	s31 =	sadd.s32 $0x320, s11;
	s30 =	sor.u32 $0x1800, s12  }
0x52: {  	[hbm4b:s31+s2] =	stream.linear.scatter [tilespmem:s30], [sflag:$0x2], $0x80, $0x38;
	[tilespmem:$0x8480] =	vst v63  }
0x53: {  	s15 =	sadd.s32 $0x3A0, s11;
	s12 =	sor.u32 $0x1C00, s12  }
0x54: {  	[hbm4b:s15+s2] =	stream.linear.scatter [tilespmem:s12], [sflag:$0x2], $0x80, $0x38;
	[tilespmem:$0x8480] =	vst v63  }
0x55: {  	v59 =	vld [tilespmem:s10+$0xFFFFFFFF];
	_ =	sdelay $0x4  }
0x56: {  	(v2sf) =	vpush v59, $0x0;
	_ =	sdelay $0xe  }
0x57: {  	s16 =	spop (v2sf)  }
0x58: {  	s17 =	sshll.u32 s16, $0xA;
	s12 =	sshll.u32 s16, $0x7  }
0x59: {  	s13 =	sand.u32 $0xFFFFE000, s17;
	s12 =	sand.u32 $0x380, s12  }
0x5a: {  	s18 =	sadd.s32 $0x30, s11;
	s12 =	sor.u32 s12, s13  }
0x5b: {  	[hbm4b:s18+s2] =	stream.linear.scatter [tilespmem:s12], [sflag:$0x2], $0x80, $0x38;
	[tilespmem:$0x8480] =	vst v63  }
0x5c: {  	s20 =	sadd.s32 $0xB0, s11;
	s19 =	sor.u32 $0x400, s12  }
0x5d: {  	[hbm4b:s20+s2] =	stream.linear.scatter [tilespmem:s19], [sflag:$0x2], $0x80, $0x38;
	[tilespmem:$0x8480] =	vst v63  }
0x5e: {  	s22 =	sadd.s32 $0x130, s11;
	s21 =	sor.u32 $0x800, s12  }
0x5f: {  	[hbm4b:s22+s2] =	stream.linear.scatter [tilespmem:s21], [sflag:$0x2], $0x80, $0x38;
	[tilespmem:$0x8480] =	vst v63  }
0x60: {  	s24 =	sadd.s32 $0x1B0, s11;
	s23 =	sor.u32 $0xC00, s12  }
0x61: {  	[hbm4b:s24+s2] =	stream.linear.scatter [tilespmem:s23], [sflag:$0x2], $0x80, $0x38;
	[tilespmem:$0x8480] =	vst v63  }
0x62: {  	s26 =	sadd.s32 $0x230, s11;
	s25 =	sor.u32 $0x1000, s12  }
0x63: {  	[hbm4b:s26+s2] =	stream.linear.scatter [tilespmem:s25], [sflag:$0x2], $0x80, $0x38;
	[tilespmem:$0x8480] =	vst v63  }
0x64: {  	s29 =	sadd.s32 $0x2B0, s11;
	s28 =	sor.u32 $0x1400, s12  }
0x65: {  	[hbm4b:s29+s2] =	stream.linear.scatter [tilespmem:s28], [sflag:$0x2], $0x80, $0x38;
	[tilespmem:$0x8480] =	vst v63  }
0x66: {  	s31 =	sadd.s32 $0x330, s11;
	s30 =	sor.u32 $0x1800, s12  }
0x67: {  	[hbm4b:s31+s2] =	stream.linear.scatter [tilespmem:s30], [sflag:$0x2], $0x80, $0x38;
	[tilespmem:$0x8480] =	vst v63  }
0x68: {  	s15 =	sadd.s32 $0x3B0, s11;
	s12 =	sor.u32 $0x1C00, s12  }
0x69: {  	[hbm4b:s15+s2] =	stream.linear.scatter [tilespmem:s12], [sflag:$0x2], $0x80, $0x38;
	[tilespmem:$0x8480] =	vst v63  }
0x6a: {  	v60 =	vld [tilespmem:s10+$0x0];
	_ =	sdelay $0x4  }
0x6b: {  	(v2sf) =	vpush v60, $0x0;
	_ =	sdelay $0xe  }
0x6c: {  	s16 =	spop (v2sf)  }
0x6d: {  	s17 =	sshll.u32 s16, $0xA;
	s12 =	sshll.u32 s16, $0x7  }
0x6e: {  	s13 =	sand.u32 $0xFFFFE000, s17;
	s12 =	sand.u32 $0x380, s12  }
0x6f: {  	s18 =	sadd.s32 $0x40, s11;
	s12 =	sor.u32 s12, s13  }
0x70: {  	[hbm4b:s18+s2] =	stream.linear.scatter [tilespmem:s12], [sflag:$0x2], $0x80, $0x38;
	[tilespmem:$0x8480] =	vst v63  }
0x71: {  	s20 =	sadd.s32 $0xC0, s11;
	s19 =	sor.u32 $0x400, s12  }
0x72: {  	[hbm4b:s20+s2] =	stream.linear.scatter [tilespmem:s19], [sflag:$0x2], $0x80, $0x38;
	[tilespmem:$0x8480] =	vst v63  }
0x73: {  	s22 =	sadd.s32 $0x140, s11;
	s21 =	sor.u32 $0x800, s12  }
0x74: {  	[hbm4b:s22+s2] =	stream.linear.scatter [tilespmem:s21], [sflag:$0x2], $0x80, $0x38;
	[tilespmem:$0x8480] =	vst v63  }
0x75: {  	s24 =	sadd.s32 $0x1C0, s11;
	s23 =	sor.u32 $0xC00, s12  }
0x76: {  	[hbm4b:s24+s2] =	stream.linear.scatter [tilespmem:s23], [sflag:$0x2], $0x80, $0x38;
	[tilespmem:$0x8480] =	vst v63  }
0x77: {  	s26 =	sadd.s32 $0x240, s11;
	s25 =	sor.u32 $0x1000, s12  }
0x78: {  	[hbm4b:s26+s2] =	stream.linear.scatter [tilespmem:s25], [sflag:$0x2], $0x80, $0x38;
	[tilespmem:$0x8480] =	vst v63  }
0x79: {  	s29 =	sadd.s32 $0x2C0, s11;
	s28 =	sor.u32 $0x1400, s12  }
0x7a: {  	[hbm4b:s29+s2] =	stream.linear.scatter [tilespmem:s28], [sflag:$0x2], $0x80, $0x38;
	[tilespmem:$0x8480] =	vst v63  }
0x7b: {  	s31 =	sadd.s32 $0x340, s11;
	s30 =	sor.u32 $0x1800, s12  }
0x7c: {  	[hbm4b:s31+s2] =	stream.linear.scatter [tilespmem:s30], [sflag:$0x2], $0x80, $0x38;
	[tilespmem:$0x8480] =	vst v63  }
0x7d: {  	s15 =	sadd.s32 $0x3C0, s11;
	s12 =	sor.u32 $0x1C00, s12  }
0x7e: {  	[hbm4b:s15+s2] =	stream.linear.scatter [tilespmem:s12], [sflag:$0x2], $0x80, $0x38;
	[tilespmem:$0x8480] =	vst v63  }
0x7f: {  	v61 =	vld [tilespmem:s10+$0x1];
	_ =	sdelay $0x4  }
0x80: {  	(v2sf) =	vpush v61, $0x0;
	_ =	sdelay $0xe  }
0x81: {  	s16 =	spop (v2sf)  }
0x82: {  	s17 =	sshll.u32 s16, $0xA;
	s12 =	sshll.u32 s16, $0x7  }
0x83: {  	s13 =	sand.u32 $0xFFFFE000, s17;
	s12 =	sand.u32 $0x380, s12  }
0x84: {  	s18 =	sadd.s32 $0x50, s11;
	s12 =	sor.u32 s12, s13  }
0x85: {  	[hbm4b:s18+s2] =	stream.linear.scatter [tilespmem:s12], [sflag:$0x2], $0x80, $0x38;
	[tilespmem:$0x8480] =	vst v63  }
0x86: {  	s20 =	sadd.s32 $0xD0, s11;
	s19 =	sor.u32 $0x400, s12  }
0x87: {  	[hbm4b:s20+s2] =	stream.linear.scatter [tilespmem:s19], [sflag:$0x2], $0x80, $0x38;
	[tilespmem:$0x8480] =	vst v63  }
0x88: {  	s22 =	sadd.s32 $0x150, s11;
	s21 =	sor.u32 $0x800, s12  }
0x89: {  	[hbm4b:s22+s2] =	stream.linear.scatter [tilespmem:s21], [sflag:$0x2], $0x80, $0x38;
	[tilespmem:$0x8480] =	vst v63  }
0x8a: {  	s24 =	sadd.s32 $0x1D0, s11;
	s23 =	sor.u32 $0xC00, s12  }
0x8b: {  	[hbm4b:s24+s2] =	stream.linear.scatter [tilespmem:s23], [sflag:$0x2], $0x80, $0x38;
	[tilespmem:$0x8480] =	vst v63  }
0x8c: {  	s26 =	sadd.s32 $0x250, s11;
	s25 =	sor.u32 $0x1000, s12  }
0x8d: {  	[hbm4b:s26+s2] =	stream.linear.scatter [tilespmem:s25], [sflag:$0x2], $0x80, $0x38;
	[tilespmem:$0x8480] =	vst v63  }
0x8e: {  	s29 =	sadd.s32 $0x2D0, s11;
	s28 =	sor.u32 $0x1400, s12  }
0x8f: {  	[hbm4b:s29+s2] =	stream.linear.scatter [tilespmem:s28], [sflag:$0x2], $0x80, $0x38;
	[tilespmem:$0x8480] =	vst v63  }
0x90: {  	s31 =	sadd.s32 $0x350, s11;
	s30 =	sor.u32 $0x1800, s12  }
0x91: {  	[hbm4b:s31+s2] =	stream.linear.scatter [tilespmem:s30], [sflag:$0x2], $0x80, $0x38;
	[tilespmem:$0x8480] =	vst v63  }
0x92: {  	s15 =	sadd.s32 $0x3D0, s11;
	s12 =	sor.u32 $0x1C00, s12  }
0x93: {  	[hbm4b:s15+s2] =	stream.linear.scatter [tilespmem:s12], [sflag:$0x2], $0x80, $0x38;
	[tilespmem:$0x8480] =	vst v63  }
0x94: {  	v62 =	vld [tilespmem:s10+$0x2];
	_ =	sdelay $0x4  }
0x95: {  	(v2sf) =	vpush v62, $0x0;
	_ =	sdelay $0xe  }
0x96: {  	s16 =	spop (v2sf)  }
0x97: {  	s17 =	sshll.u32 s16, $0xA;
	s12 =	sshll.u32 s16, $0x7  }
0x98: {  	s13 =	sand.u32 $0xFFFFE000, s17;
	s12 =	sand.u32 $0x380, s12  }
0x99: {  	s18 =	sadd.s32 $0x60, s11;
	s12 =	sor.u32 s12, s13  }
0x9a: {  	[hbm4b:s18+s2] =	stream.linear.scatter [tilespmem:s12], [sflag:$0x2], $0x80, $0x38;
	[tilespmem:$0x8480] =	vst v63  }
0x9b: {  	s20 =	sadd.s32 $0xE0, s11;
	s19 =	sor.u32 $0x400, s12  }
0x9c: {  	[hbm4b:s20+s2] =	stream.linear.scatter [tilespmem:s19], [sflag:$0x2], $0x80, $0x38;
	[tilespmem:$0x8480] =	vst v63  }
0x9d: {  	s22 =	sadd.s32 $0x160, s11;
	s21 =	sor.u32 $0x800, s12  }
0x9e: {  	[hbm4b:s22+s2] =	stream.linear.scatter [tilespmem:s21], [sflag:$0x2], $0x80, $0x38;
	[tilespmem:$0x8480] =	vst v63  }
0x9f: {  	s24 =	sadd.s32 $0x1E0, s11;
	s23 =	sor.u32 $0xC00, s12  }
0xa0: {  	[hbm4b:s24+s2] =	stream.linear.scatter [tilespmem:s23], [sflag:$0x2], $0x80, $0x38;
	[tilespmem:$0x8480] =	vst v63  }
0xa1: {  	s26 =	sadd.s32 $0x260, s11;
	s25 =	sor.u32 $0x1000, s12  }
0xa2: {  	[hbm4b:s26+s2] =	stream.linear.scatter [tilespmem:s25], [sflag:$0x2], $0x80, $0x38;
	[tilespmem:$0x8480] =	vst v63  }
0xa3: {  	s29 =	sadd.s32 $0x2E0, s11;
	s28 =	sor.u32 $0x1400, s12  }
0xa4: {  	[hbm4b:s29+s2] =	stream.linear.scatter [tilespmem:s28], [sflag:$0x2], $0x80, $0x38;
	[tilespmem:$0x8480] =	vst v63  }
0xa5: {  	s31 =	sadd.s32 $0x360, s11;
	s30 =	sor.u32 $0x1800, s12  }
0xa6: {  	[hbm4b:s31+s2] =	stream.linear.scatter [tilespmem:s30], [sflag:$0x2], $0x80, $0x38;
	[tilespmem:$0x8480] =	vst v63  }
0xa7: {  	s15 =	sadd.s32 $0x3E0, s11;
	s12 =	sor.u32 $0x1C00, s12  }
0xa8: {  	[hbm4b:s15+s2] =	stream.linear.scatter [tilespmem:s12], [sflag:$0x2], $0x80, $0x38;
	[tilespmem:$0x8480] =	vst v63  }
0xa9: {  	v63 =	vld [tilespmem:s10+$0x3];
	_ =	sdelay $0x4  }
0xaa: {  	(v2sf) =	vpush v63, $0x0;
	_ =	sdelay $0xe  }
0xab: {  	s16 =	spop (v2sf)  }
0xac: {  	s17 =	sshll.u32 s16, $0xA;
	s10 =	sshll.u32 s16, $0x7  }
0xad: {  	s12 =	sand.u32 $0xFFFFE000, s17;
	s10 =	sand.u32 $0x380, s10  }
0xae: {  	s18 =	sadd.s32 $0x70, s11;
	s12 =	sor.u32 s10, s12  }
0xaf: {  	[hbm4b:s18+s2] =	stream.linear.scatter [tilespmem:s12], [sflag:$0x2], $0x80, $0x38;
	[tilespmem:$0x8480] =	vst v63  }
0xb0: {  	s20 =	sadd.s32 $0xF0, s11;
	s19 =	sor.u32 $0x400, s12  }
0xb1: {  	[hbm4b:s20+s2] =	stream.linear.scatter [tilespmem:s19], [sflag:$0x2], $0x80, $0x38;
	[tilespmem:$0x8480] =	vst v63  }
0xb2: {  	s22 =	sadd.s32 $0x170, s11;
	s21 =	sor.u32 $0x800, s12  }
0xb3: {  	[hbm4b:s22+s2] =	stream.linear.scatter [tilespmem:s21], [sflag:$0x2], $0x80, $0x38;
	[tilespmem:$0x8480] =	vst v63  }
0xb4: {  	s24 =	sadd.s32 $0x1F0, s11;
	s26 =	sadd.s32 $0x270, s11;
	s23 =	sor.u32 $0xC00, s12  }
0xb5: {  	[hbm4b:s24+s2] =	stream.linear.scatter [tilespmem:s23], [sflag:$0x2], $0x80, $0x38;
	[tilespmem:$0x8480] =	vst v63  }
0xb6: {  	s29 =	sadd.s32 $0x2F0, s11;
	s31 =	sadd.s32 $0x370, s11;
	s25 =	sor.u32 $0x1000, s12  }
0xb7: {  	[hbm4b:s26+s2] =	stream.linear.scatter [tilespmem:s25], [sflag:$0x2], $0x80, $0x38;
	[tilespmem:$0x8480] =	vst v63  }
0xb8: {  	s10 =	simm.s32 $0x400;
	s28 =	sor.u32 $0x1400, s12;
	s30 =	sor.u32 $0x1800, s12  }
0xb9: {  	[hbm4b:s29+s2] =	stream.linear.scatter [tilespmem:s28], [sflag:$0x2], $0x80, $0x38;
	[tilespmem:$0x8480] =	vst v63  }
0xba: {  	s13 =	sor.u32 $0x1C00, s12;
	s12 =	sadd.s32 $0x3F0, s11;
	s11 =	simm.s32 $0x800C  }
0xbb: {  	[hbm4b:s31+s2] =	stream.linear.scatter [tilespmem:s30], [sflag:$0x2], $0x80, $0x38;
	[tilespmem:$0x8480] =	vst v63  }
.LBB2_2:
0xbc: {  	[hbm4b:s12+s2] =	stream.linear.scatter [tilespmem:s13], [sflag:$0x2], $0x80, $0x38;
	[tilespmem:$0x8480] =	vst v63  }
0xbd: {  	v0 =	vld [tilespmem:s11+$0xFFFFFFFC];
	_ =	sdelay $0x4  }
0xbe: {  	(v2sf) =	vpush v0, $0x0;
	_ =	sdelay $0xe  }
0xbf: {  	s14 =	spop (v2sf)  }
0xc0: {  	s17 =	smov.u32 s10;
	s15 =	sshll.u32 s14, $0xA;
	s14 =	sshll.u32 s14, $0x7  }
0xc1: {  	s18 =	rddreg [dreg:$0x3];
	s15 =	sand.u32 $0xFFFFE000, s15;
	s14 =	sand.u32 $0x380, s14  }
0xc2: {  	s12 =	sadd.s32 s17, s18;
	s14 =	sor.u32 s14, s15  }
0xc3: {  	[hbm4b:s12+s2] =	stream.linear.scatter [tilespmem:s14], [sflag:$0x2], $0x80, $0x38;
	[tilespmem:$0x8480] =	vst v63  }
0xc4: {  	s20 =	sadd.s32 $0x80, s12;
	s19 =	sor.u32 $0x400, s14  }
0xc5: {  	[hbm4b:s20+s2] =	stream.linear.scatter [tilespmem:s19], [sflag:$0x2], $0x80, $0x38;
	[tilespmem:$0x8480] =	vst v63  }
0xc6: {  	s22 =	sadd.s32 $0x100, s12;
	s21 =	sor.u32 $0x800, s14  }
0xc7: {  	[hbm4b:s22+s2] =	stream.linear.scatter [tilespmem:s21], [sflag:$0x2], $0x80, $0x38;
	[tilespmem:$0x8480] =	vst v63  }
0xc8: {  	s24 =	sadd.s32 $0x180, s12;
	s23 =	sor.u32 $0xC00, s14  }
0xc9: {  	[hbm4b:s24+s2] =	stream.linear.scatter [tilespmem:s23], [sflag:$0x2], $0x80, $0x38;
	[tilespmem:$0x8480] =	vst v63  }
0xca: {  	s26 =	sadd.s32 $0x200, s12;
	s25 =	sor.u32 $0x1000, s14  }
0xcb: {  	[hbm4b:s26+s2] =	stream.linear.scatter [tilespmem:s25], [sflag:$0x2], $0x80, $0x38;
	[tilespmem:$0x8480] =	vst v63  }
0xcc: {  	s29 =	sadd.s32 $0x280, s12;
	s28 =	sor.u32 $0x1400, s14  }
0xcd: {  	[hbm4b:s29+s2] =	stream.linear.scatter [tilespmem:s28], [sflag:$0x2], $0x80, $0x38;
	[tilespmem:$0x8480] =	vst v63  }
0xce: {  	s31 =	sadd.s32 $0x300, s12;
	s30 =	sor.u32 $0x1800, s14  }
0xcf: {  	[hbm4b:s31+s2] =	stream.linear.scatter [tilespmem:s30], [sflag:$0x2], $0x80, $0x38;
	[tilespmem:$0x8480] =	vst v63  }
0xd0: {  	s15 =	sadd.s32 $0x380, s12;
	s14 =	sor.u32 $0x1C00, s14  }
0xd1: {  	[hbm4b:s15+s2] =	stream.linear.scatter [tilespmem:s14], [sflag:$0x2], $0x80, $0x38;
	[tilespmem:$0x8480] =	vst v63  }
0xd2: {  	v57 =	vld [tilespmem:s11+$0xFFFFFFFD];
	_ =	sdelay $0x4  }
0xd3: {  	(v2sf) =	vpush v57, $0x0;
	_ =	sdelay $0xe  }
0xd4: {  	s16 =	spop (v2sf)  }
0xd5: {  	s17 =	sshll.u32 s16, $0xA;
	s13 =	sshll.u32 s16, $0x7  }
0xd6: {  	s14 =	sand.u32 $0xFFFFE000, s17;
	s13 =	sand.u32 $0x380, s13  }
0xd7: {  	s18 =	sadd.s32 $0x10, s12;
	s13 =	sor.u32 s13, s14  }
0xd8: {  	[hbm4b:s18+s2] =	stream.linear.scatter [tilespmem:s13], [sflag:$0x2], $0x80, $0x38;
	[tilespmem:$0x8480] =	vst v63  }
0xd9: {  	s20 =	sadd.s32 $0x90, s12;
	s19 =	sor.u32 $0x400, s13  }
0xda: {  	[hbm4b:s20+s2] =	stream.linear.scatter [tilespmem:s19], [sflag:$0x2], $0x80, $0x38;
	[tilespmem:$0x8480] =	vst v63  }
0xdb: {  	s22 =	sadd.s32 $0x110, s12;
	s21 =	sor.u32 $0x800, s13  }
0xdc: {  	[hbm4b:s22+s2] =	stream.linear.scatter [tilespmem:s21], [sflag:$0x2], $0x80, $0x38;
	[tilespmem:$0x8480] =	vst v63  }
0xdd: {  	s24 =	sadd.s32 $0x190, s12;
	s23 =	sor.u32 $0xC00, s13  }
0xde: {  	[hbm4b:s24+s2] =	stream.linear.scatter [tilespmem:s23], [sflag:$0x2], $0x80, $0x38;
	[tilespmem:$0x8480] =	vst v63  }
0xdf: {  	s26 =	sadd.s32 $0x210, s12;
	s25 =	sor.u32 $0x1000, s13  }
0xe0: {  	[hbm4b:s26+s2] =	stream.linear.scatter [tilespmem:s25], [sflag:$0x2], $0x80, $0x38;
	[tilespmem:$0x8480] =	vst v63  }
0xe1: {  	s29 =	sadd.s32 $0x290, s12;
	s28 =	sor.u32 $0x1400, s13  }
0xe2: {  	[hbm4b:s29+s2] =	stream.linear.scatter [tilespmem:s28], [sflag:$0x2], $0x80, $0x38;
	[tilespmem:$0x8480] =	vst v63  }
0xe3: {  	s31 =	sadd.s32 $0x310, s12;
	s30 =	sor.u32 $0x1800, s13  }
0xe4: {  	[hbm4b:s31+s2] =	stream.linear.scatter [tilespmem:s30], [sflag:$0x2], $0x80, $0x38;
	[tilespmem:$0x8480] =	vst v63  }
0xe5: {  	s15 =	sadd.s32 $0x390, s12;
	s13 =	sor.u32 $0x1C00, s13  }
0xe6: {  	[hbm4b:s15+s2] =	stream.linear.scatter [tilespmem:s13], [sflag:$0x2], $0x80, $0x38;
	[tilespmem:$0x8480] =	vst v63  }
0xe7: {  	v58 =	vld [tilespmem:s11+$0xFFFFFFFE];
	_ =	sdelay $0x4  }
0xe8: {  	(v2sf) =	vpush v58, $0x0;
	_ =	sdelay $0xe  }
0xe9: {  	s16 =	spop (v2sf)  }
0xea: {  	s17 =	sshll.u32 s16, $0xA;
	s13 =	sshll.u32 s16, $0x7  }
0xeb: {  	s14 =	sand.u32 $0xFFFFE000, s17;
	s13 =	sand.u32 $0x380, s13  }
0xec: {  	s18 =	sadd.s32 $0x20, s12;
	s13 =	sor.u32 s13, s14  }
0xed: {  	[hbm4b:s18+s2] =	stream.linear.scatter [tilespmem:s13], [sflag:$0x2], $0x80, $0x38;
	[tilespmem:$0x8480] =	vst v63  }
0xee: {  	s20 =	sadd.s32 $0xA0, s12;
	s19 =	sor.u32 $0x400, s13  }
0xef: {  	[hbm4b:s20+s2] =	stream.linear.scatter [tilespmem:s19], [sflag:$0x2], $0x80, $0x38;
	[tilespmem:$0x8480] =	vst v63  }
0xf0: {  	s22 =	sadd.s32 $0x120, s12;
	s21 =	sor.u32 $0x800, s13  }
0xf1: {  	[hbm4b:s22+s2] =	stream.linear.scatter [tilespmem:s21], [sflag:$0x2], $0x80, $0x38;
	[tilespmem:$0x8480] =	vst v63  }
0xf2: {  	s24 =	sadd.s32 $0x1A0, s12;
	s23 =	sor.u32 $0xC00, s13  }
0xf3: {  	[hbm4b:s24+s2] =	stream.linear.scatter [tilespmem:s23], [sflag:$0x2], $0x80, $0x38;
	[tilespmem:$0x8480] =	vst v63  }
0xf4: {  	s26 =	sadd.s32 $0x220, s12;
	s25 =	sor.u32 $0x1000, s13  }
0xf5: {  	[hbm4b:s26+s2] =	stream.linear.scatter [tilespmem:s25], [sflag:$0x2], $0x80, $0x38;
	[tilespmem:$0x8480] =	vst v63  }
0xf6: {  	s29 =	sadd.s32 $0x2A0, s12;
	s28 =	sor.u32 $0x1400, s13  }
0xf7: {  	[hbm4b:s29+s2] =	stream.linear.scatter [tilespmem:s28], [sflag:$0x2], $0x80, $0x38;
	[tilespmem:$0x8480] =	vst v63  }
0xf8: {  	s31 =	sadd.s32 $0x320, s12;
	s30 =	sor.u32 $0x1800, s13  }
0xf9: {  	[hbm4b:s31+s2] =	stream.linear.scatter [tilespmem:s30], [sflag:$0x2], $0x80, $0x38;
	[tilespmem:$0x8480] =	vst v63  }
0xfa: {  	s15 =	sadd.s32 $0x3A0, s12;
	s13 =	sor.u32 $0x1C00, s13  }
0xfb: {  	[hbm4b:s15+s2] =	stream.linear.scatter [tilespmem:s13], [sflag:$0x2], $0x80, $0x38;
	[tilespmem:$0x8480] =	vst v63  }
0xfc: {  	v59 =	vld [tilespmem:s11+$0xFFFFFFFF];
	_ =	sdelay $0x4  }
0xfd: {  	(v2sf) =	vpush v59, $0x0;
	_ =	sdelay $0xe  }
0xfe: {  	s16 =	spop (v2sf)  }
0xff: {  	s17 =	sshll.u32 s16, $0xA;
	s13 =	sshll.u32 s16, $0x7  }
0x100: {  	s14 =	sand.u32 $0xFFFFE000, s17;
	s13 =	sand.u32 $0x380, s13  }
0x101: {  	s18 =	sadd.s32 $0x30, s12;
	s13 =	sor.u32 s13, s14  }
0x102: {  	[hbm4b:s18+s2] =	stream.linear.scatter [tilespmem:s13], [sflag:$0x2], $0x80, $0x38;
	[tilespmem:$0x8480] =	vst v63  }
0x103: {  	s20 =	sadd.s32 $0xB0, s12;
	s19 =	sor.u32 $0x400, s13  }
0x104: {  	[hbm4b:s20+s2] =	stream.linear.scatter [tilespmem:s19], [sflag:$0x2], $0x80, $0x38;
	[tilespmem:$0x8480] =	vst v63  }
0x105: {  	s22 =	sadd.s32 $0x130, s12;
	s21 =	sor.u32 $0x800, s13  }
0x106: {  	[hbm4b:s22+s2] =	stream.linear.scatter [tilespmem:s21], [sflag:$0x2], $0x80, $0x38;
	[tilespmem:$0x8480] =	vst v63  }
0x107: {  	s24 =	sadd.s32 $0x1B0, s12;
	s23 =	sor.u32 $0xC00, s13  }
0x108: {  	[hbm4b:s24+s2] =	stream.linear.scatter [tilespmem:s23], [sflag:$0x2], $0x80, $0x38;
	[tilespmem:$0x8480] =	vst v63  }
0x109: {  	s26 =	sadd.s32 $0x230, s12;
	s25 =	sor.u32 $0x1000, s13  }
0x10a: {  	[hbm4b:s26+s2] =	stream.linear.scatter [tilespmem:s25], [sflag:$0x2], $0x80, $0x38;
	[tilespmem:$0x8480] =	vst v63  }
0x10b: {  	s29 =	sadd.s32 $0x2B0, s12;
	s28 =	sor.u32 $0x1400, s13  }
0x10c: {  	[hbm4b:s29+s2] =	stream.linear.scatter [tilespmem:s28], [sflag:$0x2], $0x80, $0x38;
	[tilespmem:$0x8480] =	vst v63  }
0x10d: {  	s31 =	sadd.s32 $0x330, s12;
	s30 =	sor.u32 $0x1800, s13  }
0x10e: {  	[hbm4b:s31+s2] =	stream.linear.scatter [tilespmem:s30], [sflag:$0x2], $0x80, $0x38;
	[tilespmem:$0x8480] =	vst v63  }
0x10f: {  	s15 =	sadd.s32 $0x3B0, s12;
	s13 =	sor.u32 $0x1C00, s13  }
0x110: {  	[hbm4b:s15+s2] =	stream.linear.scatter [tilespmem:s13], [sflag:$0x2], $0x80, $0x38;
	[tilespmem:$0x8480] =	vst v63  }
0x111: {  	v60 =	vld [tilespmem:s11+$0x0];
	_ =	sdelay $0x4  }
0x112: {  	(v2sf) =	vpush v60, $0x0;
	_ =	sdelay $0xe  }
0x113: {  	s16 =	spop (v2sf)  }
0x114: {  	s17 =	sshll.u32 s16, $0xA;
	s13 =	sshll.u32 s16, $0x7  }
0x115: {  	s14 =	sand.u32 $0xFFFFE000, s17;
	s13 =	sand.u32 $0x380, s13  }
0x116: {  	s18 =	sadd.s32 $0x40, s12;
	s13 =	sor.u32 s13, s14  }
0x117: {  	[hbm4b:s18+s2] =	stream.linear.scatter [tilespmem:s13], [sflag:$0x2], $0x80, $0x38;
	[tilespmem:$0x8480] =	vst v63  }
0x118: {  	s20 =	sadd.s32 $0xC0, s12;
	s19 =	sor.u32 $0x400, s13  }
0x119: {  	[hbm4b:s20+s2] =	stream.linear.scatter [tilespmem:s19], [sflag:$0x2], $0x80, $0x38;
	[tilespmem:$0x8480] =	vst v63  }
0x11a: {  	s22 =	sadd.s32 $0x140, s12;
	s21 =	sor.u32 $0x800, s13  }
0x11b: {  	[hbm4b:s22+s2] =	stream.linear.scatter [tilespmem:s21], [sflag:$0x2], $0x80, $0x38;
	[tilespmem:$0x8480] =	vst v63  }
0x11c: {  	s24 =	sadd.s32 $0x1C0, s12;
	s23 =	sor.u32 $0xC00, s13  }
0x11d: {  	[hbm4b:s24+s2] =	stream.linear.scatter [tilespmem:s23], [sflag:$0x2], $0x80, $0x38;
	[tilespmem:$0x8480] =	vst v63  }
0x11e: {  	s26 =	sadd.s32 $0x240, s12;
	s25 =	sor.u32 $0x1000, s13  }
0x11f: {  	[hbm4b:s26+s2] =	stream.linear.scatter [tilespmem:s25], [sflag:$0x2], $0x80, $0x38;
	[tilespmem:$0x8480] =	vst v63  }
0x120: {  	s29 =	sadd.s32 $0x2C0, s12;
	s28 =	sor.u32 $0x1400, s13  }
0x121: {  	[hbm4b:s29+s2] =	stream.linear.scatter [tilespmem:s28], [sflag:$0x2], $0x80, $0x38;
	[tilespmem:$0x8480] =	vst v63  }
0x122: {  	s31 =	sadd.s32 $0x340, s12;
	s30 =	sor.u32 $0x1800, s13  }
0x123: {  	[hbm4b:s31+s2] =	stream.linear.scatter [tilespmem:s30], [sflag:$0x2], $0x80, $0x38;
	[tilespmem:$0x8480] =	vst v63  }
0x124: {  	s15 =	sadd.s32 $0x3C0, s12;
	s13 =	sor.u32 $0x1C00, s13  }
0x125: {  	[hbm4b:s15+s2] =	stream.linear.scatter [tilespmem:s13], [sflag:$0x2], $0x80, $0x38;
	[tilespmem:$0x8480] =	vst v63  }
0x126: {  	v61 =	vld [tilespmem:s11+$0x1];
	_ =	sdelay $0x4  }
0x127: {  	(v2sf) =	vpush v61, $0x0;
	_ =	sdelay $0xe  }
0x128: {  	s16 =	spop (v2sf)  }
0x129: {  	s17 =	sshll.u32 s16, $0xA;
	s13 =	sshll.u32 s16, $0x7  }
0x12a: {  	s14 =	sand.u32 $0xFFFFE000, s17;
	s13 =	sand.u32 $0x380, s13  }
0x12b: {  	s18 =	sadd.s32 $0x50, s12;
	s13 =	sor.u32 s13, s14  }
0x12c: {  	[hbm4b:s18+s2] =	stream.linear.scatter [tilespmem:s13], [sflag:$0x2], $0x80, $0x38;
	[tilespmem:$0x8480] =	vst v63  }
0x12d: {  	s20 =	sadd.s32 $0xD0, s12;
	s19 =	sor.u32 $0x400, s13  }
0x12e: {  	[hbm4b:s20+s2] =	stream.linear.scatter [tilespmem:s19], [sflag:$0x2], $0x80, $0x38;
	[tilespmem:$0x8480] =	vst v63  }
0x12f: {  	s22 =	sadd.s32 $0x150, s12;
	s21 =	sor.u32 $0x800, s13  }
0x130: {  	[hbm4b:s22+s2] =	stream.linear.scatter [tilespmem:s21], [sflag:$0x2], $0x80, $0x38;
	[tilespmem:$0x8480] =	vst v63  }
0x131: {  	s24 =	sadd.s32 $0x1D0, s12;
	s23 =	sor.u32 $0xC00, s13  }
0x132: {  	[hbm4b:s24+s2] =	stream.linear.scatter [tilespmem:s23], [sflag:$0x2], $0x80, $0x38;
	[tilespmem:$0x8480] =	vst v63  }
0x133: {  	s26 =	sadd.s32 $0x250, s12;
	s25 =	sor.u32 $0x1000, s13  }
0x134: {  	[hbm4b:s26+s2] =	stream.linear.scatter [tilespmem:s25], [sflag:$0x2], $0x80, $0x38;
	[tilespmem:$0x8480] =	vst v63  }
0x135: {  	s29 =	sadd.s32 $0x2D0, s12;
	s28 =	sor.u32 $0x1400, s13  }
0x136: {  	[hbm4b:s29+s2] =	stream.linear.scatter [tilespmem:s28], [sflag:$0x2], $0x80, $0x38;
	[tilespmem:$0x8480] =	vst v63  }
0x137: {  	s31 =	sadd.s32 $0x350, s12;
	s30 =	sor.u32 $0x1800, s13  }
0x138: {  	[hbm4b:s31+s2] =	stream.linear.scatter [tilespmem:s30], [sflag:$0x2], $0x80, $0x38;
	[tilespmem:$0x8480] =	vst v63  }
0x139: {  	s15 =	sadd.s32 $0x3D0, s12;
	s13 =	sor.u32 $0x1C00, s13  }
0x13a: {  	[hbm4b:s15+s2] =	stream.linear.scatter [tilespmem:s13], [sflag:$0x2], $0x80, $0x38;
	[tilespmem:$0x8480] =	vst v63  }
0x13b: {  	v62 =	vld [tilespmem:s11+$0x2];
	_ =	sdelay $0x4  }
0x13c: {  	(v2sf) =	vpush v62, $0x0;
	_ =	sdelay $0xe  }
0x13d: {  	s16 =	spop (v2sf)  }
0x13e: {  	s17 =	sshll.u32 s16, $0xA;
	s13 =	sshll.u32 s16, $0x7  }
0x13f: {  	s14 =	sand.u32 $0xFFFFE000, s17;
	s13 =	sand.u32 $0x380, s13  }
0x140: {  	s18 =	sadd.s32 $0x60, s12;
	s13 =	sor.u32 s13, s14  }
0x141: {  	[hbm4b:s18+s2] =	stream.linear.scatter [tilespmem:s13], [sflag:$0x2], $0x80, $0x38;
	[tilespmem:$0x8480] =	vst v63  }
0x142: {  	s20 =	sadd.s32 $0xE0, s12;
	s19 =	sor.u32 $0x400, s13  }
0x143: {  	[hbm4b:s20+s2] =	stream.linear.scatter [tilespmem:s19], [sflag:$0x2], $0x80, $0x38;
	[tilespmem:$0x8480] =	vst v63  }
0x144: {  	s22 =	sadd.s32 $0x160, s12;
	s21 =	sor.u32 $0x800, s13  }
0x145: {  	[hbm4b:s22+s2] =	stream.linear.scatter [tilespmem:s21], [sflag:$0x2], $0x80, $0x38;
	[tilespmem:$0x8480] =	vst v63  }
0x146: {  	s24 =	sadd.s32 $0x1E0, s12;
	s23 =	sor.u32 $0xC00, s13  }
0x147: {  	[hbm4b:s24+s2] =	stream.linear.scatter [tilespmem:s23], [sflag:$0x2], $0x80, $0x38;
	[tilespmem:$0x8480] =	vst v63  }
0x148: {  	s26 =	sadd.s32 $0x260, s12;
	s25 =	sor.u32 $0x1000, s13  }
0x149: {  	[hbm4b:s26+s2] =	stream.linear.scatter [tilespmem:s25], [sflag:$0x2], $0x80, $0x38;
	[tilespmem:$0x8480] =	vst v63  }
0x14a: {  	s29 =	sadd.s32 $0x2E0, s12;
	s28 =	sor.u32 $0x1400, s13  }
0x14b: {  	[hbm4b:s29+s2] =	stream.linear.scatter [tilespmem:s28], [sflag:$0x2], $0x80, $0x38;
	[tilespmem:$0x8480] =	vst v63  }
0x14c: {  	s31 =	sadd.s32 $0x360, s12;
	s30 =	sor.u32 $0x1800, s13  }
0x14d: {  	[hbm4b:s31+s2] =	stream.linear.scatter [tilespmem:s30], [sflag:$0x2], $0x80, $0x38;
	[tilespmem:$0x8480] =	vst v63  }
0x14e: {  	s15 =	sadd.s32 $0x3E0, s12;
	s13 =	sor.u32 $0x1C00, s13  }
0x14f: {  	[hbm4b:s15+s2] =	stream.linear.scatter [tilespmem:s13], [sflag:$0x2], $0x80, $0x38;
	[tilespmem:$0x8480] =	vst v63  }
0x150: {  	v63 =	vld [tilespmem:s11+$0x3];
	_ =	sdelay $0x4  }
0x151: {  	(v2sf) =	vpush v63, $0x0;
	_ =	sdelay $0xe  }
0x152: {  	s16 =	spop (v2sf)  }
0x153: {  	s17 =	sshll.u32 s16, $0xA;
	s13 =	sshll.u32 s16, $0x7  }
0x154: {  	s14 =	sand.u32 $0xFFFFE000, s17;
	s13 =	sand.u32 $0x380, s13  }
0x155: {  	s18 =	sadd.s32 $0x70, s12;
	s13 =	sor.u32 s13, s14  }
0x156: {  	[hbm4b:s18+s2] =	stream.linear.scatter [tilespmem:s13], [sflag:$0x2], $0x80, $0x38;
	[tilespmem:$0x8480] =	vst v63  }
0x157: {  	s20 =	sadd.s32 $0xF0, s12;
	s19 =	sor.u32 $0x400, s13  }
0x158: {  	[hbm4b:s20+s2] =	stream.linear.scatter [tilespmem:s19], [sflag:$0x2], $0x80, $0x38;
	[tilespmem:$0x8480] =	vst v63  }
0x159: {  	s22 =	sadd.s32 $0x170, s12;
	s21 =	sor.u32 $0x800, s13  }
0x15a: {  	[hbm4b:s22+s2] =	stream.linear.scatter [tilespmem:s21], [sflag:$0x2], $0x80, $0x38;
	[tilespmem:$0x8480] =	vst v63  }
0x15b: {  	s24 =	sadd.s32 $0x1F0, s12;
	s23 =	sor.u32 $0xC00, s13  }
0x15c: {  	[hbm4b:s24+s2] =	stream.linear.scatter [tilespmem:s23], [sflag:$0x2], $0x80, $0x38;
	[tilespmem:$0x8480] =	vst v63  }
0x15d: {  	p0 =	sne.s32 s10, $0x1FC00;
	s26 =	sadd.s32 $0x270, s12;
	s25 =	sor.u32 $0x1000, s13  }
0x15e: {  	[hbm4b:s26+s2] =	stream.linear.scatter [tilespmem:s25], [sflag:$0x2], $0x80, $0x38;
	[tilespmem:$0x8480] =	vst v63  }
.Ltmp0:
0x15f: {  	s10 =	sadd.s32 $0x400, s10;
	s29 =	sadd.s32 $0x2F0, s12;
	(pc) =	sbr.rel @p0 .LBB2_2-.Ltmp0, $4  }
0x160: {  	s31 =	sadd.s32 $0x370, s12;
	s12 =	sadd.s32 $0x3F0, s12;
	s28 =	sor.u32 $0x1400, s13  }
0x161: {  	[hbm4b:s29+s2] =	stream.linear.scatter [tilespmem:s28], [sflag:$0x2], $0x80, $0x38;
	[tilespmem:$0x8480] =	vst v63  }
0x162: {  	s11 =	sadd.s32 $0x8, s11;
	s30 =	sor.u32 $0x1800, s13;
	s13 =	sor.u32 $0x1C00, s13  }
0x163: {  	[hbm4b:s31+s2] =	stream.linear.scatter [tilespmem:s30], [sflag:$0x2], $0x80, $0x38;
	[tilespmem:$0x8480] =	vst v63  }
0x164: {  	[hbm4b:s12+s2] =	stream.linear.scatter [tilespmem:s13], [sflag:$0x2], $0x80, $0x38;
	[tilespmem:$0x8480] =	vst v63  }
0x165: {  	_ =	swait.ge [sflag:s8], $0x400  }
0x166: {  	s10 =	simm.s32 $0x3FF;
	[sflag:s8] =	ssyncset.done $0x0  }
.LBB2_4:
0x167: {  	p0 =	sne.s32 s10, $0x1;
	s10 =	sadd.s32 $0xFFFFFFFF, s10;
	[sflag:s8] =	ssyncadd.s32 $0xFFFFFC00  }
.Ltmp1:
0x168: {  	(pc) =	sbr.rel @p0 .LBB2_4-.Ltmp1, $3  }
0x169: {  	_ =	sdelay $0x1  }
0x16a: {  	_ =	swait.ge [sflag:s8], $0x400  }
0x16b: {  	[sflag:s8] =	ssyncset.done $0x0  }
0x16c: {  	s9 =	sadd.s32 $0x1, s9  }
0x16d: {  	p0 =	sne.s32 s9, s5  }
.Ltmp2:
0x16e: {  	_ = 	snop;
	(pc) =	sbr.rel @p0 .LBB2_1-.Ltmp2, $2  }
0x16f: {  	_ =	sdelay $0x2  }
0x170: {  	[sflag:s8] =	ssyncadd.s32 $0xFFFFFC00  }
0x171: {  	_ =	sfence.sel $0x180000  }
0x172: {  	[bflag:$0x0] =	sbarrier.arrive $0xFFFF  }
0x173: {  	p0 =	sne.s32 s1, $0x0;
	_ =	strace $0x90000047  }
0x174: {  	s0 =	sadd.s32 @!p0 $0x100000, s0;
	[bflag:$0x2] =	sbarrier.arrive $0xFFFF  }
0x175: {  	[sflag:s0] =	ssyncadd.tile.s32 @!p0 $0x1;
	_ =	shalt  }
.Lfunc_end2:
_tile_overlayer_lowered:
.L_overlay_start_2:
0x176: {  	(tag) =	ssettag $0x2  }
0x177: {  	s0 =	rddreg [dreg:$0x0];
	s2 =	stileid.u32  }
0x178: {  	s1 =	rddreg [dreg:$0x1];
	p0 =	sne.s32 s2, $0x0  }
0x179: {  	s3 =	rddreg [dreg:$0x2];
	[bflag:$0x3] =	sbarrier.arrive $0xFFFF;
	s2 =	simm.s32 @!p0 $0x1C03  }
0x17a: {  	[timem:s3], [sflag:s2] =	dma.local @!p0 [hbm:s0], s1  }
0x17b: {  	s0 =	simm.s32 @!p0 $0x3  }
0x17c: {  	_ =	swait.ge @!p0 [sflag:s0], s1  }
0x17d: {  	s1 =	ssub.s32 @!p0 $0x0, s1;
	[sflag:s0] =	ssyncset.done @!p0 $0x0  }
0x17e: {  	[sflag:s0] =	ssyncadd.s32 @!p0 s1  }
0x17f: {  	[bflag:$0x3] =	sbarrier.arrive $0xFFFF  }
0x180: {  	_ =	shalt  }

</sc_bundles>
